<compile_context>
chip_gen: v7x
topology: tpu7x:2x2x1
jax: 0.10.2.dev20260603
libtpu: 0.0.44.dev20260713+nightly
codegen_flags: <defaults>
</compile_context>

<pallas_src>
import functools

import jax
import jax.numpy as jnp
from jax import lax
from jax.experimental import pallas as pl
from jax.experimental.pallas import tpu as pltpu
from jax.experimental.pallas import tpu_sc as plsc

BATCH = 16384
SN = 1000000
EN = 100000
NC, NS, L = 2, 16, 16
NW = NC * NS
BW = BATCH // NW

S_STRIPE = 62464
S_LAST_OFF = 15 * S_STRIPE
S_LAST_MAIN = 62976
S_MAIN = 999936
E_STRIPE = 6144
E_LAST_OFF = 15 * E_STRIPE
E_LAST_MAIN = 7808
E_MAIN = 99968

mesh = plsc.VectorSubcoreMesh(core_axis_name="c", subcore_axis_name="s")


@functools.partial(
    pl.kernel, mesh=mesh,
    out_type=jax.ShapeDtypeStruct((BATCH,), jnp.float32),
    scratch_types=[
        pltpu.VMEM_SHARED((SN + 64,), jnp.float32),
        pltpu.VMEM_SHARED((EN + 96,), jnp.float32),
        pltpu.VMEM_SHARED((EN + 96,), jnp.float32),
        pltpu.VMEM((BW,), jnp.int32),
        pltpu.VMEM((BW,), jnp.int32),
        pltpu.VMEM((BW,), jnp.float32),
        pltpu.VMEM((BW,), jnp.float32),
        pltpu.VMEM((BW,), jnp.float32),
        pltpu.VMEM((BW,), jnp.float32),
        pltpu.SemaphoreType.DMA,
        pltpu.SemaphoreType.DMA,
    ],
)
def _k(stu_id_hbm, exer_id_hbm, sT_hbm, kT_hbm, dT_hbm, tails_hbm, out_hbm,
       sh_s, sh_k, sh_d, sidx_v, eidx_v, s_v, k_v, d_v, o_v, sem, isem):
    sid = lax.axis_index("s")
    wid = sid * NC + lax.axis_index("c")
    base = wid * BW
    ci_e = pltpu.async_copy(exer_id_hbm.at[pl.ds(base, BW)], eidx_v, isem)
    ci_s = pltpu.async_copy(stu_id_hbm.at[pl.ds(base, BW)], sidx_v, isem)

    def stage(src, dst, off, n):
        off = pl.multiple_of(off, 128)
        return pltpu.async_copy(
            src.at[0, pl.ds(off, n)], dst.at[pl.ds(off, n)], sem)

    @pl.when(sid < NS - 1)
    def _():
        c_k = stage(kT_hbm, sh_k, sid * E_STRIPE, E_STRIPE)
        c_d = stage(dT_hbm, sh_d, sid * E_STRIPE, E_STRIPE)
        c_s = stage(sT_hbm, sh_s, sid * S_STRIPE, S_STRIPE)
        c_k.wait()
        c_d.wait()
        plsc.subcore_barrier()
        ci_e.wait()
        g_k = pltpu.async_copy(sh_k.at[eidx_v], k_v, isem)
        g_d = pltpu.async_copy(sh_d.at[eidx_v], d_v, isem)
        c_s.wait()
        plsc.subcore_barrier()
        ci_s.wait()
        g_s = pltpu.async_copy(sh_s.at[sidx_v], s_v, isem)
        g_k.wait()
        g_d.wait()
        g_s.wait()

    @pl.when(sid == NS - 1)
    def _():
        c_k = stage(kT_hbm, sh_k, E_LAST_OFF, E_LAST_MAIN)
        c_d = stage(dT_hbm, sh_d, E_LAST_OFF, E_LAST_MAIN)
        c_kt = pltpu.async_copy(tails_hbm.at[0, pl.ds(128, 128)],
                                sh_k.at[pl.ds(E_MAIN, 128)], sem)
        c_dt = pltpu.async_copy(tails_hbm.at[0, pl.ds(256, 128)],
                                sh_d.at[pl.ds(E_MAIN, 128)], sem)
        c_s = stage(sT_hbm, sh_s, S_LAST_OFF, S_LAST_MAIN)
        c_st = pltpu.async_copy(tails_hbm.at[0, pl.ds(0, 128)],
                                sh_s.at[pl.ds(S_MAIN, 128)], sem)
        c_k.wait()
        c_d.wait()
        c_kt.wait()
        c_dt.wait()
        plsc.subcore_barrier()
        ci_e.wait()
        g_k = pltpu.async_copy(sh_k.at[eidx_v], k_v, isem)
        g_d = pltpu.async_copy(sh_d.at[eidx_v], d_v, isem)
        c_s.wait()
        c_st.wait()
        plsc.subcore_barrier()
        ci_s.wait()
        g_s = pltpu.async_copy(sh_s.at[sidx_v], s_v, isem)
        g_k.wait()
        g_d.wait()
        g_s.wait()

    def body(i, carry):
        sl = pl.ds(i * L, L)
        es = jnp.exp(-s_v[sl])
        ek = jnp.exp(-k_v[sl])
        ed = jnp.exp(-d_v[sl])
        t = (10.0 * (ek - es)) / ((1.0 + es) * ((1.0 + ek) * (1.0 + ed)))
        o_v[sl] = 1.0 / (1.0 + jnp.exp(-t))
        return carry

    lax.fori_loop(0, BW // L, body, 0)
    pltpu.sync_copy(o_v, out_hbm.at[pl.ds(base, BW)])


@jax.jit
def kernel(stu_id, exer_id, student_emb, k_difficulty, e_discrimination):
    z96 = jnp.zeros((96,), jnp.float32)
    tails = jnp.concatenate([
        student_emb[S_MAIN:, 0], jnp.zeros((64,), jnp.float32),
        k_difficulty[E_MAIN:, 0], z96,
        e_discrimination[E_MAIN:, 0], z96,
    ]).reshape(1, 384)
    out = _k(
        stu_id.astype(jnp.int32),
        exer_id.astype(jnp.int32),
        student_emb.T,
        k_difficulty.T,
        e_discrimination.T,
        tails,
    )
    return out.reshape(BATCH, 1)

# --- scband reference (transcript-rebuilt; emitter-appended) ---
"""Pipeline reference for scband-net-2585570312713 (READ-ONLY COPY).

The authoritative reference and input builder live on the scoring server;
editing this copy changes nothing except your own understanding.
"""

import jax, jax.numpy as jnp
import numpy as np

STUDENT_N = 1000000
EXER_N = 100000
BATCH = 16384

def setup_inputs(seed: int = 0) -> dict:
    key = jax.random.key(seed)
    k1, k2, k3, k4, k5 = jax.random.split(key, 5)
    stu_id = jax.random.randint(k1, (BATCH,), 0, STUDENT_N, dtype=jnp.int64 if jax.config.jax_enable_x64 else jnp.int32)
    exer_id = jax.random.randint(k2, (BATCH,), 0, EXER_N, dtype=jnp.int64 if jax.config.jax_enable_x64 else jnp.int32)
    # xavier_normal_ for [V, 1] embedding: std = sqrt(2 / (V + 1))
    student_emb = jax.random.normal(k3, (STUDENT_N, 1), dtype=jnp.float32) * np.sqrt(2.0 / (STUDENT_N + 1))
    k_difficulty = jax.random.normal(k4, (EXER_N, 1), dtype=jnp.float32) * np.sqrt(2.0 / (EXER_N + 1))
    e_discrimination = jax.random.normal(k5, (EXER_N, 1), dtype=jnp.float32) * np.sqrt(2.0 / (EXER_N + 1))
    return {"stu_id": stu_id, "exer_id": exer_id,
            "student_emb": student_emb, "k_difficulty": k_difficulty,
            "e_discrimination": e_discrimination}

def reference(stu_id, exer_id, student_emb, k_difficulty, e_discrimination):
    stu_emb = jax.nn.sigmoid(jnp.take(student_emb, stu_id, axis=0))
    k_diff = jax.nn.sigmoid(jnp.take(k_difficulty, exer_id, axis=0))
    e_disc = jax.nn.sigmoid(jnp.take(e_discrimination, exer_id, axis=0)) * 10.0
    input_x = e_disc * (stu_emb - k_diff)
    output = jax.nn.sigmoid(input_x)
    return output

if __name__ == "__main__":
    import jax
    _d = setup_inputs()
    print(jax.jit(kernel)(*tuple(_d.values())))

</pallas_src>

<mosaic_0001>
#map = affine_map<(d0, d1) -> (0)>
#map1 = affine_map<(d0, d1) -> (0, 0)>
module attributes {stable_mosaic.version = 14 : i64} {
  func.func @_k(%arg0: i32, %arg1: i32, %arg2: memref<16384xi32, #tpu.memory_space<hbm>>, %arg3: memref<16384xi32, #tpu.memory_space<hbm>>, %arg4: memref<1x1000000xf32, #tpu.memory_space<hbm>>, %arg5: memref<1x100000xf32, #tpu.memory_space<hbm>>, %arg6: memref<1x100000xf32, #tpu.memory_space<hbm>>, %arg7: memref<1x384xf32, #tpu.memory_space<hbm>>, %arg8: memref<16384xf32, #tpu.memory_space<hbm>>, %arg9: memref<1000064xf32, #tpu.memory_space<vmem_shared>>, %arg10: memref<100096xf32, #tpu.memory_space<vmem_shared>>, %arg11: memref<100096xf32, #tpu.memory_space<vmem_shared>>, %arg12: memref<512xi32, #tpu.memory_space<vmem>>, %arg13: memref<512xi32, #tpu.memory_space<vmem>>, %arg14: memref<512xf32, #tpu.memory_space<vmem>>, %arg15: memref<512xf32, #tpu.memory_space<vmem>>, %arg16: memref<512xf32, #tpu.memory_space<vmem>>, %arg17: memref<512xf32, #tpu.memory_space<vmem>>, %arg18: memref<!tpu.dma_semaphore, #tpu.memory_space<semaphore_mem>>, %arg19: memref<!tpu.dma_semaphore, #tpu.memory_space<semaphore_mem>>) attributes {dimension_semantics = [#tpu.dimension_semantics<core_parallel>, #tpu.dimension_semantics<subcore_parallel>], iteration_bounds = array<i64: 2, 16>, scalar_prefetch = 0 : i64, scratch_operands = 11 : i64, tpu.core_type = #tpu.core_type<sc_vector_subcore>, window_params = [{transform_indices = #map}, {transform_indices = #map}, {transform_indices = #map1}, {transform_indices = #map1}, {transform_indices = #map1}, {transform_indices = #map1}, {transform_indices = #map}]} {
    %mul3A = arith.constant 2 : i32
    %mul3A_0 = arith.muli %arg1, %mul3A : i32
    %add3A = arith.addi %mul3A_0, %arg0 : i32
    %mul3A_1 = arith.constant 512 : i32
    %mul3A_2 = arith.muli %add3A, %mul3A_1 : i32
    %dma_start3A = tpu.memref_slice %arg3[%mul3A_2] : memref<16384xi32, #tpu.memory_space<hbm>> -> memref<512xi32, #tpu.memory_space<hbm>>
    %dma_start3A_3 = tpu.memref_slice %arg3[%mul3A_2] : memref<16384xi32, #tpu.memory_space<hbm>> -> memref<512xi32, #tpu.memory_space<hbm>>
    tpu.enqueue_dma source(%dma_start3A_3 : memref<512xi32, #tpu.memory_space<hbm>>) target(%arg13 : memref<512xi32, #tpu.memory_space<vmem>>) target_semaphore(%arg19 : memref<!tpu.dma_semaphore, #tpu.memory_space<semaphore_mem>>)
    %dma_start3A_4 = tpu.memref_slice %arg2[%mul3A_2] : memref<16384xi32, #tpu.memory_space<hbm>> -> memref<512xi32, #tpu.memory_space<hbm>>
    %dma_start3A_5 = tpu.memref_slice %arg2[%mul3A_2] : memref<16384xi32, #tpu.memory_space<hbm>> -> memref<512xi32, #tpu.memory_space<hbm>>
    tpu.enqueue_dma source(%dma_start3A_5 : memref<512xi32, #tpu.memory_space<hbm>>) target(%arg12 : memref<512xi32, #tpu.memory_space<vmem>>) target_semaphore(%arg19 : memref<!tpu.dma_semaphore, #tpu.memory_space<semaphore_mem>>)
    %lt3A = arith.constant 15 : i32
    %lt3A_6 = arith.cmpi slt, %arg1, %lt3A : i32
    %convert_element_type3A = arith.extui %lt3A_6 : i1 to i32
    %cond3A = arith.constant 0 : i32
    %cond3A_7 = arith.cmpi ne, %convert_element_type3A, %cond3A : i32
    scf.if %cond3A_7 {
      %mul3A_17 = arith.constant 6144 : i32
      %mul3A_18 = arith.muli %arg1, %mul3A_17 : i32
      %multiple_of3A = tpu.assume_multiple %mul3A_18, 128 : i32
      %dma_start3A_19 = arith.constant 0 : i32
      %dma_start3A_20 = tpu.memref_slice %arg10[%multiple_of3A] : memref<100096xf32, #tpu.memory_space<vmem_shared>> -> memref<6144xf32, #tpu.memory_space<vmem_shared>>
      %dma_start3A_21 = tpu.memref_slice %arg5[%dma_start3A_19, %multiple_of3A] : memref<1x100000xf32, #tpu.memory_space<hbm>> -> memref<1x6144xf32, #tpu.memory_space<hbm>>
      %dma_start3A_22 = tpu.memref_squeeze %dma_start3A_21 : memref<1x6144xf32, #tpu.memory_space<hbm>> -> memref<6144xf32, #tpu.memory_space<hbm>>
      tpu.enqueue_dma source(%dma_start3A_22 : memref<6144xf32, #tpu.memory_space<hbm>>) target(%dma_start3A_20 : memref<6144xf32, #tpu.memory_space<vmem_shared>>) target_semaphore(%arg18 : memref<!tpu.dma_semaphore, #tpu.memory_space<semaphore_mem>>)
      %mul3A_23 = arith.constant 6144 : i32
      %mul3A_24 = arith.muli %arg1, %mul3A_23 : i32
      %multiple_of3A_25 = tpu.assume_multiple %mul3A_24, 128 : i32
      %dma_start3A_26 = arith.constant 0 : i32
      %dma_start3A_27 = tpu.memref_slice %arg11[%multiple_of3A_25] : memref<100096xf32, #tpu.memory_space<vmem_shared>> -> memref<6144xf32, #tpu.memory_space<vmem_shared>>
      %dma_start3A_28 = tpu.memref_slice %arg6[%dma_start3A_26, %multiple_of3A_25] : memref<1x100000xf32, #tpu.memory_space<hbm>> -> memref<1x6144xf32, #tpu.memory_space<hbm>>
      %dma_start3A_29 = tpu.memref_squeeze %dma_start3A_28 : memref<1x6144xf32, #tpu.memory_space<hbm>> -> memref<6144xf32, #tpu.memory_space<hbm>>
      tpu.enqueue_dma source(%dma_start3A_29 : memref<6144xf32, #tpu.memory_space<hbm>>) target(%dma_start3A_27 : memref<6144xf32, #tpu.memory_space<vmem_shared>>) target_semaphore(%arg18 : memref<!tpu.dma_semaphore, #tpu.memory_space<semaphore_mem>>)
      %mul3A_30 = arith.constant 62464 : i32
      %mul3A_31 = arith.muli %arg1, %mul3A_30 : i32
      %multiple_of3A_32 = tpu.assume_multiple %mul3A_31, 128 : i32
      %dma_start3A_33 = arith.constant 0 : i32
      %dma_start3A_34 = tpu.memref_slice %arg9[%multiple_of3A_32] : memref<1000064xf32, #tpu.memory_space<vmem_shared>> -> memref<62464xf32, #tpu.memory_space<vmem_shared>>
      %dma_start3A_35 = tpu.memref_slice %arg4[%dma_start3A_33, %multiple_of3A_32] : memref<1x1000000xf32, #tpu.memory_space<hbm>> -> memref<1x62464xf32, #tpu.memory_space<hbm>>
      %dma_start3A_36 = tpu.memref_squeeze %dma_start3A_35 : memref<1x62464xf32, #tpu.memory_space<hbm>> -> memref<62464xf32, #tpu.memory_space<hbm>>
      tpu.enqueue_dma source(%dma_start3A_36 : memref<62464xf32, #tpu.memory_space<hbm>>) target(%dma_start3A_34 : memref<62464xf32, #tpu.memory_space<vmem_shared>>) target_semaphore(%arg18 : memref<!tpu.dma_semaphore, #tpu.memory_space<semaphore_mem>>)
      %dma_wait3A = arith.constant 0 : i32
      %dma_wait3A_37 = tpu.memref_slice %arg10[%multiple_of3A] : memref<100096xf32, #tpu.memory_space<vmem_shared>> -> memref<6144xf32, #tpu.memory_space<vmem_shared>>
      %dma_wait3A_38 = tpu.memref_slice %arg5[%dma_wait3A, %multiple_of3A] : memref<1x100000xf32, #tpu.memory_space<hbm>> -> memref<1x6144xf32, #tpu.memory_space<hbm>>
      %dma_wait3A_39 = tpu.memref_squeeze %dma_wait3A_38 : memref<1x6144xf32, #tpu.memory_space<hbm>> -> memref<6144xf32, #tpu.memory_space<hbm>>
      tpu.wait_dma2 semaphore(%arg18 : memref<!tpu.dma_semaphore, #tpu.memory_space<semaphore_mem>>) src(%dma_wait3A_39 : memref<6144xf32, #tpu.memory_space<hbm>>) dst(%dma_wait3A_37 : memref<6144xf32, #tpu.memory_space<vmem_shared>>)
      %dma_wait3A_40 = arith.constant 0 : i32
      %dma_wait3A_41 = tpu.memref_slice %arg11[%multiple_of3A_25] : memref<100096xf32, #tpu.memory_space<vmem_shared>> -> memref<6144xf32, #tpu.memory_space<vmem_shared>>
      %dma_wait3A_42 = tpu.memref_slice %arg6[%dma_wait3A_40, %multiple_of3A_25] : memref<1x100000xf32, #tpu.memory_space<hbm>> -> memref<1x6144xf32, #tpu.memory_space<hbm>>
      %dma_wait3A_43 = tpu.memref_squeeze %dma_wait3A_42 : memref<1x6144xf32, #tpu.memory_space<hbm>> -> memref<6144xf32, #tpu.memory_space<hbm>>
      tpu.wait_dma2 semaphore(%arg18 : memref<!tpu.dma_semaphore, #tpu.memory_space<semaphore_mem>>) src(%dma_wait3A_43 : memref<6144xf32, #tpu.memory_space<hbm>>) dst(%dma_wait3A_41 : memref<6144xf32, #tpu.memory_space<vmem_shared>>)
      %barrier3A = arith.constant 0 : index
      tpu.barrier barrier_id(%barrier3A)
      %dma_wait3A_44 = tpu.memref_slice %arg3[%mul3A_2] : memref<16384xi32, #tpu.memory_space<hbm>> -> memref<512xi32, #tpu.memory_space<hbm>>
      %dma_wait3A_45 = tpu.memref_slice %arg3[%mul3A_2] : memref<16384xi32, #tpu.memory_space<hbm>> -> memref<512xi32, #tpu.memory_space<hbm>>
      tpu.wait_dma2 semaphore(%arg19 : memref<!tpu.dma_semaphore, #tpu.memory_space<semaphore_mem>>) src(%dma_wait3A_45 : memref<512xi32, #tpu.memory_space<hbm>>) dst(%arg13 : memref<512xi32, #tpu.memory_space<vmem>>)
      %dma_start3A_46 = arith.constant 0 : i32
      %dma_start3A_47 = tpu.memref_slice %arg10[%dma_start3A_46] : memref<100096xf32, #tpu.memory_space<vmem_shared>> -> memref<100096xf32, #tpu.memory_space<vmem_shared>>
      tpu.enqueue_indirect_dma source(%dma_start3A_47 : memref<100096xf32, #tpu.memory_space<vmem_shared>>) target(%arg15 : memref<512xf32, #tpu.memory_space<vmem>>) offsets(%arg13 : memref<512xi32, #tpu.memory_space<vmem>>) semaphore(%arg19 : memref<!tpu.dma_semaphore, #tpu.memory_space<semaphore_mem>>)
      %dma_start3A_48 = arith.constant 0 : i32
      %dma_start3A_49 = tpu.memref_slice %arg11[%dma_start3A_48] : memref<100096xf32, #tpu.memory_space<vmem_shared>> -> memref<100096xf32, #tpu.memory_space<vmem_shared>>
      tpu.enqueue_indirect_dma source(%dma_start3A_49 : memref<100096xf32, #tpu.memory_space<vmem_shared>>) target(%arg16 : memref<512xf32, #tpu.memory_space<vmem>>) offsets(%arg13 : memref<512xi32, #tpu.memory_space<vmem>>) semaphore(%arg19 : memref<!tpu.dma_semaphore, #tpu.memory_space<semaphore_mem>>)
      %dma_wait3A_50 = arith.constant 0 : i32
      %dma_wait3A_51 = tpu.memref_slice %arg9[%multiple_of3A_32] : memref<1000064xf32, #tpu.memory_space<vmem_shared>> -> memref<62464xf32, #tpu.memory_space<vmem_shared>>
      %dma_wait3A_52 = tpu.memref_slice %arg4[%dma_wait3A_50, %multiple_of3A_32] : memref<1x1000000xf32, #tpu.memory_space<hbm>> -> memref<1x62464xf32, #tpu.memory_space<hbm>>
      %dma_wait3A_53 = tpu.memref_squeeze %dma_wait3A_52 : memref<1x62464xf32, #tpu.memory_space<hbm>> -> memref<62464xf32, #tpu.memory_space<hbm>>
      tpu.wait_dma2 semaphore(%arg18 : memref<!tpu.dma_semaphore, #tpu.memory_space<semaphore_mem>>) src(%dma_wait3A_53 : memref<62464xf32, #tpu.memory_space<hbm>>) dst(%dma_wait3A_51 : memref<62464xf32, #tpu.memory_space<vmem_shared>>)
      %barrier3A_54 = arith.constant 0 : index
      tpu.barrier barrier_id(%barrier3A_54)
      %dma_wait3A_55 = tpu.memref_slice %arg2[%mul3A_2] : memref<16384xi32, #tpu.memory_space<hbm>> -> memref<512xi32, #tpu.memory_space<hbm>>
      %dma_wait3A_56 = tpu.memref_slice %arg2[%mul3A_2] : memref<16384xi32, #tpu.memory_space<hbm>> -> memref<512xi32, #tpu.memory_space<hbm>>
      tpu.wait_dma2 semaphore(%arg19 : memref<!tpu.dma_semaphore, #tpu.memory_space<semaphore_mem>>) src(%dma_wait3A_56 : memref<512xi32, #tpu.memory_space<hbm>>) dst(%arg12 : memref<512xi32, #tpu.memory_space<vmem>>)
      %dma_start3A_57 = arith.constant 0 : i32
      %dma_start3A_58 = tpu.memref_slice %arg9[%dma_start3A_57] : memref<1000064xf32, #tpu.memory_space<vmem_shared>> -> memref<1000064xf32, #tpu.memory_space<vmem_shared>>
      tpu.enqueue_indirect_dma source(%dma_start3A_58 : memref<1000064xf32, #tpu.memory_space<vmem_shared>>) target(%arg14 : memref<512xf32, #tpu.memory_space<vmem>>) offsets(%arg12 : memref<512xi32, #tpu.memory_space<vmem>>) semaphore(%arg19 : memref<!tpu.dma_semaphore, #tpu.memory_space<semaphore_mem>>)
      %dma_wait3A_59 = arith.constant 0 : i32
      %dma_wait3A_60 = tpu.memref_slice %arg10[%dma_wait3A_59] : memref<100096xf32, #tpu.memory_space<vmem_shared>> -> memref<100096xf32, #tpu.memory_space<vmem_shared>>
      tpu.wait_indirect_dma semaphore(%arg19 : memref<!tpu.dma_semaphore, #tpu.memory_space<semaphore_mem>>) src(%dma_wait3A_60 : memref<100096xf32, #tpu.memory_space<vmem_shared>>) dst(%arg15 : memref<512xf32, #tpu.memory_space<vmem>>)
      %dma_wait3A_61 = arith.constant 0 : i32
      %dma_wait3A_62 = tpu.memref_slice %arg11[%dma_wait3A_61] : memref<100096xf32, #tpu.memory_space<vmem_shared>> -> memref<100096xf32, #tpu.memory_space<vmem_shared>>
      tpu.wait_indirect_dma semaphore(%arg19 : memref<!tpu.dma_semaphore, #tpu.memory_space<semaphore_mem>>) src(%dma_wait3A_62 : memref<100096xf32, #tpu.memory_space<vmem_shared>>) dst(%arg16 : memref<512xf32, #tpu.memory_space<vmem>>)
      %dma_wait3A_63 = arith.constant 0 : i32
      %dma_wait3A_64 = tpu.memref_slice %arg9[%dma_wait3A_63] : memref<1000064xf32, #tpu.memory_space<vmem_shared>> -> memref<1000064xf32, #tpu.memory_space<vmem_shared>>
      tpu.wait_indirect_dma semaphore(%arg19 : memref<!tpu.dma_semaphore, #tpu.memory_space<semaphore_mem>>) src(%dma_wait3A_64 : memref<1000064xf32, #tpu.memory_space<vmem_shared>>) dst(%arg14 : memref<512xf32, #tpu.memory_space<vmem>>)
    } else {
    }
    %eq3A = arith.constant 15 : i32
    %eq3A_8 = arith.cmpi eq, %arg1, %eq3A : i32
    %convert_element_type3A_9 = arith.extui %eq3A_8 : i1 to i32
    %cond3A_10 = arith.constant 0 : i32
    %cond3A_11 = arith.cmpi ne, %convert_element_type3A_9, %cond3A_10 : i32
    scf.if %cond3A_11 {
      %multiple_of3A = arith.constant 92160 : i32
      %multiple_of3A_17 = tpu.assume_multiple %multiple_of3A, 128 : i32
      %dma_start3A_18 = arith.constant 0 : i32
      %dma_start3A_19 = tpu.memref_slice %arg10[%multiple_of3A_17] : memref<100096xf32, #tpu.memory_space<vmem_shared>> -> memref<7808xf32, #tpu.memory_space<vmem_shared>>
      %dma_start3A_20 = tpu.memref_slice %arg5[%dma_start3A_18, %multiple_of3A_17] : memref<1x100000xf32, #tpu.memory_space<hbm>> -> memref<1x7808xf32, #tpu.memory_space<hbm>>
      %dma_start3A_21 = tpu.memref_squeeze %dma_start3A_20 : memref<1x7808xf32, #tpu.memory_space<hbm>> -> memref<7808xf32, #tpu.memory_space<hbm>>
      tpu.enqueue_dma source(%dma_start3A_21 : memref<7808xf32, #tpu.memory_space<hbm>>) target(%dma_start3A_19 : memref<7808xf32, #tpu.memory_space<vmem_shared>>) target_semaphore(%arg18 : memref<!tpu.dma_semaphore, #tpu.memory_space<semaphore_mem>>)
      %multiple_of3A_22 = arith.constant 92160 : i32
      %multiple_of3A_23 = tpu.assume_multiple %multiple_of3A_22, 128 : i32
      %dma_start3A_24 = arith.constant 0 : i32
      %dma_start3A_25 = tpu.memref_slice %arg11[%multiple_of3A_23] : memref<100096xf32, #tpu.memory_space<vmem_shared>> -> memref<7808xf32, #tpu.memory_space<vmem_shared>>
      %dma_start3A_26 = tpu.memref_slice %arg6[%dma_start3A_24, %multiple_of3A_23] : memref<1x100000xf32, #tpu.memory_space<hbm>> -> memref<1x7808xf32, #tpu.memory_space<hbm>>
      %dma_start3A_27 = tpu.memref_squeeze %dma_start3A_26 : memref<1x7808xf32, #tpu.memory_space<hbm>> -> memref<7808xf32, #tpu.memory_space<hbm>>
      tpu.enqueue_dma source(%dma_start3A_27 : memref<7808xf32, #tpu.memory_space<hbm>>) target(%dma_start3A_25 : memref<7808xf32, #tpu.memory_space<vmem_shared>>) target_semaphore(%arg18 : memref<!tpu.dma_semaphore, #tpu.memory_space<semaphore_mem>>)
      %dma_start3A_28 = arith.constant 0 : i32
      %dma_start3A_29 = arith.constant 99968 : i32
      %dma_start3A_30 = tpu.memref_slice %arg10[%dma_start3A_29] : memref<100096xf32, #tpu.memory_space<vmem_shared>> -> memref<128xf32, #tpu.memory_space<vmem_shared>>
      %dma_start3A_31 = arith.constant 128 : i32
      %dma_start3A_32 = tpu.memref_slice %arg7[%dma_start3A_28, %dma_start3A_31] : memref<1x384xf32, #tpu.memory_space<hbm>> -> memref<1x128xf32, #tpu.memory_space<hbm>>
      %dma_start3A_33 = tpu.memref_squeeze %dma_start3A_32 : memref<1x128xf32, #tpu.memory_space<hbm>> -> memref<128xf32, #tpu.memory_space<hbm>>
      tpu.enqueue_dma source(%dma_start3A_33 : memref<128xf32, #tpu.memory_space<hbm>>) target(%dma_start3A_30 : memref<128xf32, #tpu.memory_space<vmem_shared>>) target_semaphore(%arg18 : memref<!tpu.dma_semaphore, #tpu.memory_space<semaphore_mem>>)
      %dma_start3A_34 = arith.constant 0 : i32
      %dma_start3A_35 = arith.constant 99968 : i32
      %dma_start3A_36 = tpu.memref_slice %arg11[%dma_start3A_35] : memref<100096xf32, #tpu.memory_space<vmem_shared>> -> memref<128xf32, #tpu.memory_space<vmem_shared>>
      %dma_start3A_37 = arith.constant 256 : i32
      %dma_start3A_38 = tpu.memref_slice %arg7[%dma_start3A_34, %dma_start3A_37] : memref<1x384xf32, #tpu.memory_space<hbm>> -> memref<1x128xf32, #tpu.memory_space<hbm>>
      %dma_start3A_39 = tpu.memref_squeeze %dma_start3A_38 : memref<1x128xf32, #tpu.memory_space<hbm>> -> memref<128xf32, #tpu.memory_space<hbm>>
      tpu.enqueue_dma source(%dma_start3A_39 : memref<128xf32, #tpu.memory_space<hbm>>) target(%dma_start3A_36 : memref<128xf32, #tpu.memory_space<vmem_shared>>) target_semaphore(%arg18 : memref<!tpu.dma_semaphore, #tpu.memory_space<semaphore_mem>>)
      %multiple_of3A_40 = arith.constant 936960 : i32
      %multiple_of3A_41 = tpu.assume_multiple %multiple_of3A_40, 128 : i32
      %dma_start3A_42 = arith.constant 0 : i32
      %dma_start3A_43 = tpu.memref_slice %arg9[%multiple_of3A_41] : memref<1000064xf32, #tpu.memory_space<vmem_shared>> -> memref<62976xf32, #tpu.memory_space<vmem_shared>>
      %dma_start3A_44 = tpu.memref_slice %arg4[%dma_start3A_42, %multiple_of3A_41] : memref<1x1000000xf32, #tpu.memory_space<hbm>> -> memref<1x62976xf32, #tpu.memory_space<hbm>>
      %dma_start3A_45 = tpu.memref_squeeze %dma_start3A_44 : memref<1x62976xf32, #tpu.memory_space<hbm>> -> memref<62976xf32, #tpu.memory_space<hbm>>
      tpu.enqueue_dma source(%dma_start3A_45 : memref<62976xf32, #tpu.memory_space<hbm>>) target(%dma_start3A_43 : memref<62976xf32, #tpu.memory_space<vmem_shared>>) target_semaphore(%arg18 : memref<!tpu.dma_semaphore, #tpu.memory_space<semaphore_mem>>)
      %dma_start3A_46 = arith.constant 0 : i32
      %dma_start3A_47 = arith.constant 999936 : i32
      %dma_start3A_48 = tpu.memref_slice %arg9[%dma_start3A_47] : memref<1000064xf32, #tpu.memory_space<vmem_shared>> -> memref<128xf32, #tpu.memory_space<vmem_shared>>
      %dma_start3A_49 = arith.constant 0 : i32
      %dma_start3A_50 = tpu.memref_slice %arg7[%dma_start3A_46, %dma_start3A_49] : memref<1x384xf32, #tpu.memory_space<hbm>> -> memref<1x128xf32, #tpu.memory_space<hbm>>
      %dma_start3A_51 = tpu.memref_squeeze %dma_start3A_50 : memref<1x128xf32, #tpu.memory_space<hbm>> -> memref<128xf32, #tpu.memory_space<hbm>>
      tpu.enqueue_dma source(%dma_start3A_51 : memref<128xf32, #tpu.memory_space<hbm>>) target(%dma_start3A_48 : memref<128xf32, #tpu.memory_space<vmem_shared>>) target_semaphore(%arg18 : memref<!tpu.dma_semaphore, #tpu.memory_space<semaphore_mem>>)
      %dma_wait3A = arith.constant 0 : i32
      %dma_wait3A_52 = tpu.memref_slice %arg10[%multiple_of3A_17] : memref<100096xf32, #tpu.memory_space<vmem_shared>> -> memref<7808xf32, #tpu.memory_space<vmem_shared>>
      %dma_wait3A_53 = tpu.memref_slice %arg5[%dma_wait3A, %multiple_of3A_17] : memref<1x100000xf32, #tpu.memory_space<hbm>> -> memref<1x7808xf32, #tpu.memory_space<hbm>>
      %dma_wait3A_54 = tpu.memref_squeeze %dma_wait3A_53 : memref<1x7808xf32, #tpu.memory_space<hbm>> -> memref<7808xf32, #tpu.memory_space<hbm>>
      tpu.wait_dma2 semaphore(%arg18 : memref<!tpu.dma_semaphore, #tpu.memory_space<semaphore_mem>>) src(%dma_wait3A_54 : memref<7808xf32, #tpu.memory_space<hbm>>) dst(%dma_wait3A_52 : memref<7808xf32, #tpu.memory_space<vmem_shared>>)
      %dma_wait3A_55 = arith.constant 0 : i32
      %dma_wait3A_56 = tpu.memref_slice %arg11[%multiple_of3A_23] : memref<100096xf32, #tpu.memory_space<vmem_shared>> -> memref<7808xf32, #tpu.memory_space<vmem_shared>>
      %dma_wait3A_57 = tpu.memref_slice %arg6[%dma_wait3A_55, %multiple_of3A_23] : memref<1x100000xf32, #tpu.memory_space<hbm>> -> memref<1x7808xf32, #tpu.memory_space<hbm>>
      %dma_wait3A_58 = tpu.memref_squeeze %dma_wait3A_57 : memref<1x7808xf32, #tpu.memory_space<hbm>> -> memref<7808xf32, #tpu.memory_space<hbm>>
      tpu.wait_dma2 semaphore(%arg18 : memref<!tpu.dma_semaphore, #tpu.memory_space<semaphore_mem>>) src(%dma_wait3A_58 : memref<7808xf32, #tpu.memory_space<hbm>>) dst(%dma_wait3A_56 : memref<7808xf32, #tpu.memory_space<vmem_shared>>)
      %dma_wait3A_59 = arith.constant 0 : i32
      %dma_wait3A_60 = arith.constant 99968 : i32
      %dma_wait3A_61 = tpu.memref_slice %arg10[%dma_wait3A_60] : memref<100096xf32, #tpu.memory_space<vmem_shared>> -> memref<128xf32, #tpu.memory_space<vmem_shared>>
      %dma_wait3A_62 = arith.constant 128 : i32
      %dma_wait3A_63 = tpu.memref_slice %arg7[%dma_wait3A_59, %dma_wait3A_62] : memref<1x384xf32, #tpu.memory_space<hbm>> -> memref<1x128xf32, #tpu.memory_space<hbm>>
      %dma_wait3A_64 = tpu.memref_squeeze %dma_wait3A_63 : memref<1x128xf32, #tpu.memory_space<hbm>> -> memref<128xf32, #tpu.memory_space<hbm>>
      tpu.wait_dma2 semaphore(%arg18 : memref<!tpu.dma_semaphore, #tpu.memory_space<semaphore_mem>>) src(%dma_wait3A_64 : memref<128xf32, #tpu.memory_space<hbm>>) dst(%dma_wait3A_61 : memref<128xf32, #tpu.memory_space<vmem_shared>>)
      %dma_wait3A_65 = arith.constant 0 : i32
      %dma_wait3A_66 = arith.constant 99968 : i32
      %dma_wait3A_67 = tpu.memref_slice %arg11[%dma_wait3A_66] : memref<100096xf32, #tpu.memory_space<vmem_shared>> -> memref<128xf32, #tpu.memory_space<vmem_shared>>
      %dma_wait3A_68 = arith.constant 256 : i32
      %dma_wait3A_69 = tpu.memref_slice %arg7[%dma_wait3A_65, %dma_wait3A_68] : memref<1x384xf32, #tpu.memory_space<hbm>> -> memref<1x128xf32, #tpu.memory_space<hbm>>
      %dma_wait3A_70 = tpu.memref_squeeze %dma_wait3A_69 : memref<1x128xf32, #tpu.memory_space<hbm>> -> memref<128xf32, #tpu.memory_space<hbm>>
      tpu.wait_dma2 semaphore(%arg18 : memref<!tpu.dma_semaphore, #tpu.memory_space<semaphore_mem>>) src(%dma_wait3A_70 : memref<128xf32, #tpu.memory_space<hbm>>) dst(%dma_wait3A_67 : memref<128xf32, #tpu.memory_space<vmem_shared>>)
      %barrier3A = arith.constant 0 : index
      tpu.barrier barrier_id(%barrier3A)
      %dma_wait3A_71 = tpu.memref_slice %arg3[%mul3A_2] : memref<16384xi32, #tpu.memory_space<hbm>> -> memref<512xi32, #tpu.memory_space<hbm>>
      %dma_wait3A_72 = tpu.memref_slice %arg3[%mul3A_2] : memref<16384xi32, #tpu.memory_space<hbm>> -> memref<512xi32, #tpu.memory_space<hbm>>
      tpu.wait_dma2 semaphore(%arg19 : memref<!tpu.dma_semaphore, #tpu.memory_space<semaphore_mem>>) src(%dma_wait3A_72 : memref<512xi32, #tpu.memory_space<hbm>>) dst(%arg13 : memref<512xi32, #tpu.memory_space<vmem>>)
      %dma_start3A_73 = arith.constant 0 : i32
      %dma_start3A_74 = tpu.memref_slice %arg10[%dma_start3A_73] : memref<100096xf32, #tpu.memory_space<vmem_shared>> -> memref<100096xf32, #tpu.memory_space<vmem_shared>>
      tpu.enqueue_indirect_dma source(%dma_start3A_74 : memref<100096xf32, #tpu.memory_space<vmem_shared>>) target(%arg15 : memref<512xf32, #tpu.memory_space<vmem>>) offsets(%arg13 : memref<512xi32, #tpu.memory_space<vmem>>) semaphore(%arg19 : memref<!tpu.dma_semaphore, #tpu.memory_space<semaphore_mem>>)
      %dma_start3A_75 = arith.constant 0 : i32
      %dma_start3A_76 = tpu.memref_slice %arg11[%dma_start3A_75] : memref<100096xf32, #tpu.memory_space<vmem_shared>> -> memref<100096xf32, #tpu.memory_space<vmem_shared>>
      tpu.enqueue_indirect_dma source(%dma_start3A_76 : memref<100096xf32, #tpu.memory_space<vmem_shared>>) target(%arg16 : memref<512xf32, #tpu.memory_space<vmem>>) offsets(%arg13 : memref<512xi32, #tpu.memory_space<vmem>>) semaphore(%arg19 : memref<!tpu.dma_semaphore, #tpu.memory_space<semaphore_mem>>)
      %dma_wait3A_77 = arith.constant 0 : i32
      %dma_wait3A_78 = tpu.memref_slice %arg9[%multiple_of3A_41] : memref<1000064xf32, #tpu.memory_space<vmem_shared>> -> memref<62976xf32, #tpu.memory_space<vmem_shared>>
      %dma_wait3A_79 = tpu.memref_slice %arg4[%dma_wait3A_77, %multiple_of3A_41] : memref<1x1000000xf32, #tpu.memory_space<hbm>> -> memref<1x62976xf32, #tpu.memory_space<hbm>>
      %dma_wait3A_80 = tpu.memref_squeeze %dma_wait3A_79 : memref<1x62976xf32, #tpu.memory_space<hbm>> -> memref<62976xf32, #tpu.memory_space<hbm>>
      tpu.wait_dma2 semaphore(%arg18 : memref<!tpu.dma_semaphore, #tpu.memory_space<semaphore_mem>>) src(%dma_wait3A_80 : memref<62976xf32, #tpu.memory_space<hbm>>) dst(%dma_wait3A_78 : memref<62976xf32, #tpu.memory_space<vmem_shared>>)
      %dma_wait3A_81 = arith.constant 0 : i32
      %dma_wait3A_82 = arith.constant 999936 : i32
      %dma_wait3A_83 = tpu.memref_slice %arg9[%dma_wait3A_82] : memref<1000064xf32, #tpu.memory_space<vmem_shared>> -> memref<128xf32, #tpu.memory_space<vmem_shared>>
      %dma_wait3A_84 = arith.constant 0 : i32
      %dma_wait3A_85 = tpu.memref_slice %arg7[%dma_wait3A_81, %dma_wait3A_84] : memref<1x384xf32, #tpu.memory_space<hbm>> -> memref<1x128xf32, #tpu.memory_space<hbm>>
      %dma_wait3A_86 = tpu.memref_squeeze %dma_wait3A_85 : memref<1x128xf32, #tpu.memory_space<hbm>> -> memref<128xf32, #tpu.memory_space<hbm>>
      tpu.wait_dma2 semaphore(%arg18 : memref<!tpu.dma_semaphore, #tpu.memory_space<semaphore_mem>>) src(%dma_wait3A_86 : memref<128xf32, #tpu.memory_space<hbm>>) dst(%dma_wait3A_83 : memref<128xf32, #tpu.memory_space<vmem_shared>>)
      %barrier3A_87 = arith.constant 0 : index
      tpu.barrier barrier_id(%barrier3A_87)
      %dma_wait3A_88 = tpu.memref_slice %arg2[%mul3A_2] : memref<16384xi32, #tpu.memory_space<hbm>> -> memref<512xi32, #tpu.memory_space<hbm>>
      %dma_wait3A_89 = tpu.memref_slice %arg2[%mul3A_2] : memref<16384xi32, #tpu.memory_space<hbm>> -> memref<512xi32, #tpu.memory_space<hbm>>
      tpu.wait_dma2 semaphore(%arg19 : memref<!tpu.dma_semaphore, #tpu.memory_space<semaphore_mem>>) src(%dma_wait3A_89 : memref<512xi32, #tpu.memory_space<hbm>>) dst(%arg12 : memref<512xi32, #tpu.memory_space<vmem>>)
      %dma_start3A_90 = arith.constant 0 : i32
      %dma_start3A_91 = tpu.memref_slice %arg9[%dma_start3A_90] : memref<1000064xf32, #tpu.memory_space<vmem_shared>> -> memref<1000064xf32, #tpu.memory_space<vmem_shared>>
      tpu.enqueue_indirect_dma source(%dma_start3A_91 : memref<1000064xf32, #tpu.memory_space<vmem_shared>>) target(%arg14 : memref<512xf32, #tpu.memory_space<vmem>>) offsets(%arg12 : memref<512xi32, #tpu.memory_space<vmem>>) semaphore(%arg19 : memref<!tpu.dma_semaphore, #tpu.memory_space<semaphore_mem>>)
      %dma_wait3A_92 = arith.constant 0 : i32
      %dma_wait3A_93 = tpu.memref_slice %arg10[%dma_wait3A_92] : memref<100096xf32, #tpu.memory_space<vmem_shared>> -> memref<100096xf32, #tpu.memory_space<vmem_shared>>
      tpu.wait_indirect_dma semaphore(%arg19 : memref<!tpu.dma_semaphore, #tpu.memory_space<semaphore_mem>>) src(%dma_wait3A_93 : memref<100096xf32, #tpu.memory_space<vmem_shared>>) dst(%arg15 : memref<512xf32, #tpu.memory_space<vmem>>)
      %dma_wait3A_94 = arith.constant 0 : i32
      %dma_wait3A_95 = tpu.memref_slice %arg11[%dma_wait3A_94] : memref<100096xf32, #tpu.memory_space<vmem_shared>> -> memref<100096xf32, #tpu.memory_space<vmem_shared>>
      tpu.wait_indirect_dma semaphore(%arg19 : memref<!tpu.dma_semaphore, #tpu.memory_space<semaphore_mem>>) src(%dma_wait3A_95 : memref<100096xf32, #tpu.memory_space<vmem_shared>>) dst(%arg16 : memref<512xf32, #tpu.memory_space<vmem>>)
      %dma_wait3A_96 = arith.constant 0 : i32
      %dma_wait3A_97 = tpu.memref_slice %arg9[%dma_wait3A_96] : memref<1000064xf32, #tpu.memory_space<vmem_shared>> -> memref<1000064xf32, #tpu.memory_space<vmem_shared>>
      tpu.wait_indirect_dma semaphore(%arg19 : memref<!tpu.dma_semaphore, #tpu.memory_space<semaphore_mem>>) src(%dma_wait3A_97 : memref<1000064xf32, #tpu.memory_space<vmem_shared>>) dst(%arg14 : memref<512xf32, #tpu.memory_space<vmem>>)
    } else {
    }
    %scan3A = arith.constant 0 : i32
    %scan3A_12 = arith.constant 0 : i32
    %scan3A_13 = arith.constant 32 : i32
    %scan3A_14 = arith.addi %scan3A_12, %scan3A_13 : i32
    %scan3A_15 = arith.constant 1 : i32
    scf.for %scan3A_17 = %scan3A_12 to %scan3A_14 step %scan3A_15  : i32 {
      %mul3A_18 = arith.constant 16 : i32
      %mul3A_19 = arith.muli %scan3A_17, %mul3A_18 : i32
      %get3A = arith.index_cast %mul3A_19 : i32 to index
      %get3A_20 = tpu.vector_load %arg14[%get3A] {strides = array<i32>} : memref<512xf32, #tpu.memory_space<vmem>>, vector<16xf32>,
      %get3A_21 = vector.shape_cast %get3A_20 : vector<16xf32> to vector<16xf32>
      %neg3A = arith.constant 0.000000e+00 : f32
      %neg3A_22 = vector.broadcast %neg3A : f32 to vector<16xf32>
      %neg3A_23 = arith.subf %neg3A_22, %get3A_21 : vector<16xf32>
      %exp3A = math.exp %neg3A_23 : vector<16xf32>
      %get3A_24 = arith.index_cast %mul3A_19 : i32 to index
      %get3A_25 = tpu.vector_load %arg15[%get3A_24] {strides = array<i32>} : memref<512xf32, #tpu.memory_space<vmem>>, vector<16xf32>,
      %get3A_26 = vector.shape_cast %get3A_25 : vector<16xf32> to vector<16xf32>
      %neg3A_27 = arith.constant 0.000000e+00 : f32
      %neg3A_28 = vector.broadcast %neg3A_27 : f32 to vector<16xf32>
      %neg3A_29 = arith.subf %neg3A_28, %get3A_26 : vector<16xf32>
      %exp3A_30 = math.exp %neg3A_29 : vector<16xf32>
      %get3A_31 = arith.index_cast %mul3A_19 : i32 to index
      %get3A_32 = tpu.vector_load %arg16[%get3A_31] {strides = array<i32>} : memref<512xf32, #tpu.memory_space<vmem>>, vector<16xf32>,
      %get3A_33 = vector.shape_cast %get3A_32 : vector<16xf32> to vector<16xf32>
      %neg3A_34 = arith.constant 0.000000e+00 : f32
      %neg3A_35 = vector.broadcast %neg3A_34 : f32 to vector<16xf32>
      %neg3A_36 = arith.subf %neg3A_35, %get3A_33 : vector<16xf32>
      %exp3A_37 = math.exp %neg3A_36 : vector<16xf32>
      %sub3A = arith.subf %exp3A_30, %exp3A : vector<16xf32>
      %mul3A_38 = arith.constant 1.000000e+01 : f32
      %mul3A_39 = vector.broadcast %mul3A_38 : f32 to vector<16xf32>
      %mul3A_40 = arith.mulf %mul3A_39, %sub3A : vector<16xf32>
      %add3A_41 = arith.constant 1.000000e+00 : f32
      %add3A_42 = vector.broadcast %add3A_41 : f32 to vector<16xf32>
      %add3A_43 = arith.addf %add3A_42, %exp3A : vector<16xf32>
      %add3A_44 = arith.constant 1.000000e+00 : f32
      %add3A_45 = vector.broadcast %add3A_44 : f32 to vector<16xf32>
      %add3A_46 = arith.addf %add3A_45, %exp3A_30 : vector<16xf32>
      %add3A_47 = arith.constant 1.000000e+00 : f32
      %add3A_48 = vector.broadcast %add3A_47 : f32 to vector<16xf32>
      %add3A_49 = arith.addf %add3A_48, %exp3A_37 : vector<16xf32>
      %mul3A_50 = arith.mulf %add3A_46, %add3A_49 : vector<16xf32>
      %mul3A_51 = arith.mulf %add3A_43, %mul3A_50 : vector<16xf32>
      %div3A = arith.divf %mul3A_40, %mul3A_51 : vector<16xf32>
      %neg3A_52 = arith.constant 0.000000e+00 : f32
      %neg3A_53 = vector.broadcast %neg3A_52 : f32 to vector<16xf32>
      %neg3A_54 = arith.subf %neg3A_53, %div3A : vector<16xf32>
      %exp3A_55 = math.exp %neg3A_54 : vector<16xf32>
      %add3A_56 = arith.constant 1.000000e+00 : f32
      %add3A_57 = vector.broadcast %add3A_56 : f32 to vector<16xf32>
      %add3A_58 = arith.addf %add3A_57, %exp3A_55 : vector<16xf32>
      %div3A_59 = arith.constant 1.000000e+00 : f32
      %div3A_60 = vector.broadcast %div3A_59 : f32 to vector<16xf32>
      %div3A_61 = arith.divf %div3A_60, %add3A_58 : vector<16xf32>
      %swap3A = arith.index_cast %mul3A_19 : i32 to index
      %swap3A_62 = tpu.vector_load %arg17[%swap3A] {strides = array<i32>} : memref<512xf32, #tpu.memory_space<vmem>>, vector<16xf32>,
      %swap3A_63 = vector.shape_cast %swap3A_62 : vector<16xf32> to vector<16xf32>
      %swap3A_64 = vector.shape_cast %div3A_61 : vector<16xf32> to vector<16xf32>
      tpu.vector_store %arg17[%swap3A], %swap3A_64 {strides = array<i32>} : memref<512xf32, #tpu.memory_space<vmem>>, vector<16xf32>,
    }
    %scan3A_16 = arith.constant 32 : i32
    "tpu.region"() ({
      %run_scoped3A = tpu.sem_alloc : memref<!tpu.dma_semaphore, #tpu.memory_space<semaphore_mem>>
      %dma_start3A_17 = tpu.memref_slice %arg8[%mul3A_2] : memref<16384xf32, #tpu.memory_space<hbm>> -> memref<512xf32, #tpu.memory_space<hbm>>
      %dma_start3A_18 = tpu.memref_slice %arg8[%mul3A_2] : memref<16384xf32, #tpu.memory_space<hbm>> -> memref<512xf32, #tpu.memory_space<hbm>>
      tpu.enqueue_dma source(%arg17 : memref<512xf32, #tpu.memory_space<vmem>>) target(%dma_start3A_18 : memref<512xf32, #tpu.memory_space<hbm>>) target_semaphore(%run_scoped3A : memref<!tpu.dma_semaphore, #tpu.memory_space<semaphore_mem>>)
      %dma_wait3A = tpu.memref_slice %arg8[%mul3A_2] : memref<16384xf32, #tpu.memory_space<hbm>> -> memref<512xf32, #tpu.memory_space<hbm>>
      %dma_wait3A_19 = tpu.memref_slice %arg8[%mul3A_2] : memref<16384xf32, #tpu.memory_space<hbm>> -> memref<512xf32, #tpu.memory_space<hbm>>
      tpu.wait_dma2 semaphore(%run_scoped3A : memref<!tpu.dma_semaphore, #tpu.memory_space<semaphore_mem>>) src(%arg17 : memref<512xf32, #tpu.memory_space<vmem>>) dst(%dma_wait3A_19 : memref<512xf32, #tpu.memory_space<hbm>>)
      tpu.yield
    }) : () -> ()
    return
  }
}

</mosaic_0001>

<sc_bundles>
// kernel: kernel.3.cloned.1.call-start
scs
__scs_entry_jumppad:
0x0: {  	(pc) =	sbr.rel $0x88, $3  }
0x1: {  	(tag) =	ssettag $0x0;
	lr =	simm.s32 $0x1  }
0x2: {  	[smem:$0x3F9C] =	sst lr;
	_ =	strace $0xD0000000  }
0x3: {  	_ = 	snop  }
0x4: {  	_ = 	snop  }
0x5: {  	_ = 	snop  }
0x6: {  	_ = 	snop  }
0x7: {  	_ = 	snop  }
__scs_overlays_trampoline_lowered:
0x8: {  	[smem:$0x3FAB] =	sst s0  }
0x9: {  	[smem:$0x3FAC] =	sst s1  }
0xa: {  	[smem:$0x3FAD] =	sst s2  }
0xb: {  	[smem:$0x3FAE] =	sst s3  }
0xc: {  	[smem:$0x3FAF] =	sst s4  }
0xd: {  	[smem:$0x3FB0] =	sst s5  }
0xe: {  	[smem:$0x3FB1] =	sst s6  }
0xf: {  	[smem:$0x3FB2] =	sst s7  }
0x10: {  	[smem:$0x3FB3] =	sst s8  }
0x11: {  	[smem:$0x3FB4] =	sst s9;
	s0 =	simm.s32 @!p0 $0x0  }
0x12: {  	s1 =	sld [smem:$0x3F9A];
	s0 =	simm.s32 @p0 $0x1  }
0x13: {  	[smem:$0x3FB5] =	sst s0;
	s0 =	simm.s32 @!p1 $0x0  }
0x14: {  	s2 =	sld [smem:$0x3F99];
	s0 =	simm.s32 @p1 $0x1  }
0x15: {  	[smem:$0x3FB6] =	sst s0;
	s0 =	simm.s32 @!p2 $0x0  }
0x16: {  	s3 =	sld [smem:$0x3FDB];
	s0 =	simm.s32 @p2 $0x1  }
0x17: {  	s4 =	simm.s32 $0x1BF5;
	[smem:$0x3FB8] =	sst s0  }
0x18: {  	s0 =	sld [smem:$0x3F9B];
	_ =	swait.ge [sflag:s4], $0x0  }
0x19: {  	s7 =	sld [smem:$0x3F9C]  }
0x1a: {  	s8 =	sadd.s32 $0xFFFFE003, lr  }
0x1b: {  	s9 =	sadd.s32 $0xFFFFFEF7, lr;
	s5 =	simm.s32 $0xFFFFFFFF;
	p2 =	slt.u32 s8, $0xFFFFF086  }
0x1c: {  	p1 =	slt.u32 s9, $0xF7A;
	s5 =	simm.s32 @!p2 $0x0  }
0x1d: {  	s5 =	simm.s32 @p1 $0x1;
	p0 =	seq.s32 s7, s2  }
0x1e: {  	s7 =	smul.u32 @!p0 $0xF7A, s2;
	p2 =	seq.s32 @!p0 s5, $0x0  }
0x1f: {  	s9 =	smul.u32 $0xF7A, s1;
	s8 =	simm.s32 @!p0 $0x1BF5;
	p2 =	por !p2, p0  }
0x20: {  	[sflag:s8] =	ssyncset.s32 @!p0 $0xFFFFF086;
	s6 =	sadd.s32 @!p0 s3, s7;
	s7 =	simm.s32 @!p0 $0x108  }
0x21: {  	s3 =	sadd.s32 s3, s9;
	s6 =	sadd.s32 @!p0 $0x88, s6;
	s7 =	simm.s32 @p2 $0x1082  }
0x22: {  	[simem:s7], [sflag:s8] =	dma.local @!p0 [hbm:s6], $0xF7A  }
0x23: {  	s9 =	sor.u32 $0xD0000000, s2;
	s6 =	simm.s32 $0x108;
	_ =	swait.ge @!p0 [sflag:s8], $0x0  }
0x24: {  	s3 =	sadd.s32 $0x88, s3;
	s6 =	simm.s32 @!p1 $0x1082;
	[sflag:s4] =	ssyncset.s32 $0xFFFFF086  }
0x25: {  	[simem:s6], [sflag:s4] =	dma.local [hbm:s3], $0xF7A  }
0x26: {  	[smem:$0x3F9C] =	sst s1;
	(tag) =	ssettag s2;
	_ =	strace s9  }
0x27: {  	s1 =	sld [smem:$0x3FAC]  }
0x28: {  	s2 =	sld [smem:$0x3FAD]  }
0x29: {  	s4 =	sld [smem:$0x3FAF]  }
0x2a: {  	p0 =	seq.s32 s5, $0x0;
	s5 =	sld [smem:$0x3FB0]  }
0x2b: {  	s6 =	sld [smem:$0x3FB1]  }
0x2c: {  	s7 =	sld [smem:$0x3FB2]  }
0x2d: {  	s3 =	simm.s32 $0x108;
	s8 =	sld [smem:$0x3FB3]  }
0x2e: {  	s3 =	simm.s32 @!p0 $0x1082;
	s9 =	sld [smem:$0x3FB4]  }
0x2f: {  	lr =	sadd.s32 s0, s3;
	s0 =	sld [smem:$0x3FAB]  }
0x30: {  	s3 =	sld [smem:$0x3FAE]  }
0x31: {  	[smem:$0x3FB7] =	sst s10  }
0x32: {  	s10 =	sld [smem:$0x3FB5];
	_ =	sdelay $0x3  }
0x33: {  	p0 =	seq.s32 s10, $0x1;
	s10 =	sld [smem:$0x3FB7];
	_ =	sdelay $0x3  }
0x34: {  	[smem:$0x3FB7] =	sst s10  }
0x35: {  	s10 =	sld [smem:$0x3FB6];
	_ =	sdelay $0x3  }
0x36: {  	p1 =	seq.s32 s10, $0x1;
	s10 =	sld [smem:$0x3FB7];
	_ =	sdelay $0x3  }
0x37: {  	[smem:$0x3FB7] =	sst s10  }
0x38: {  	s10 =	sld [smem:$0x3FB8]  }
0x39: {  	_ = 	snop;
	(pc) =	sbr.ind lr, $3  }
0x3a: {  	_ = 	snop  }
0x3b: {  	_ = 	snop  }
0x3c: {  	p2 =	seq.s32 s10, $0x1;
	s10 =	sld [smem:$0x3FB7]  }
0x3d: {  	_ =	shalt  }
0x3e: {  	_ =	shalt  }
0x3f: {  	_ =	shalt  }
0x40: {  	_ =	shalt  }
0x41: {  	_ =	shalt  }
0x42: {  	_ =	shalt  }
0x43: {  	_ =	shalt  }
0x44: {  	_ =	shalt  }
0x45: {  	_ =	shalt  }
0x46: {  	_ =	shalt  }
0x47: {  	_ =	shalt  }
0x48: {  	_ =	shalt  }
0x49: {  	_ =	shalt  }
0x4a: {  	_ =	shalt  }
0x4b: {  	_ =	shalt  }
0x4c: {  	_ =	shalt  }
0x4d: {  	_ =	shalt  }
0x4e: {  	_ =	shalt  }
0x4f: {  	_ =	shalt  }
0x50: {  	_ =	shalt  }
0x51: {  	_ =	shalt  }
0x52: {  	_ =	shalt  }
0x53: {  	_ =	shalt  }
0x54: {  	_ =	shalt  }
0x55: {  	_ =	shalt  }
0x56: {  	_ =	shalt  }
0x57: {  	_ =	shalt  }
0x58: {  	_ =	shalt  }
0x59: {  	_ =	shalt  }
0x5a: {  	_ =	shalt  }
0x5b: {  	_ =	shalt  }
0x5c: {  	_ =	shalt  }
0x5d: {  	_ =	shalt  }
0x5e: {  	_ =	shalt  }
0x5f: {  	_ =	shalt  }
0x60: {  	_ =	shalt  }
0x61: {  	_ =	shalt  }
0x62: {  	_ =	shalt  }
0x63: {  	_ =	shalt  }
0x64: {  	_ =	shalt  }
0x65: {  	_ =	shalt  }
0x66: {  	_ =	shalt  }
0x67: {  	_ =	shalt  }
0x68: {  	_ =	shalt  }
0x69: {  	_ =	shalt  }
0x6a: {  	_ =	shalt  }
0x6b: {  	_ =	shalt  }
0x6c: {  	_ =	shalt  }
0x6d: {  	_ =	shalt  }
0x6e: {  	_ =	shalt  }
0x6f: {  	_ =	shalt  }
0x70: {  	_ =	shalt  }
0x71: {  	_ =	shalt  }
0x72: {  	_ =	shalt  }
0x73: {  	_ =	shalt  }
0x74: {  	_ =	shalt  }
0x75: {  	_ =	shalt  }
0x76: {  	_ =	shalt  }
0x77: {  	_ =	shalt  }
0x78: {  	_ =	shalt  }
0x79: {  	_ =	shalt  }
0x7a: {  	_ =	shalt  }
0x7b: {  	_ =	shalt  }
0x7c: {  	_ =	shalt  }
0x7d: {  	_ =	shalt  }
0x7e: {  	_ =	shalt  }
0x7f: {  	_ =	shalt  }
0x80: {  	_ =	shalt  }
0x81: {  	_ =	shalt  }
0x82: {  	_ =	shalt  }
0x83: {  	_ =	shalt  }
0x84: {  	_ =	shalt  }
0x85: {  	_ =	shalt  }
0x86: {  	_ =	shalt  }
0x87: {  	_ =	shalt  }
.Lfunc_end0:
.L_simem_size_0:
called_computation_lowered:
.L_overlay_start_0:
0x88: {  	s2 =	sld [smem:$0x3FD9]  }
0x89: {  	s3 =	sld [smem:$0x3FFE];
	_ =	sdelay $0x1  }
0x8a: {  	s1 =	srdreg.scid  }
0x8b: {  	s0 =	sand.u32 $0x1, s1  }
0x8c: {  	s17 =	sshll.u32 s0, $0xA;
	s2 =	sadd.s32 s3, s2  }
0x8d: {  	s2 =	sadd.s32 s2, s17  }
0x8e: {  	[smem:$0x3FC3] =	sst s2  }
0x8f: {  	_ = 	snop  }
0x90: {  	s2 =	sld [smem:$0x3FC9]  }
0x91: {  	s18 =	sld [smem:$0x3FC8]  }
0x92: {  	s4 =	sld [smem:$0x3FC7]  }
0x93: {  	s5 =	sld [smem:$0x3FC6]  }
0x94: {  	s6 =	sld [smem:$0x3FC5]  }
0x95: {  	s7 =	sld [smem:$0x3FD0];
	(tm) =	ssettm $0x1  }
0x96: {  	s8 =	sld [smem:$0x3FFB];
	_ =	sdelay $0x3  }
0x97: {  	_ =	strace s8  }
0x98: {  	s8 =	sld [smem:$0x3FFC];
	_ =	sdelay $0x3  }
0x99: {  	_ =	strace s8  }
0x9a: {  	s8 =	sld [smem:$0x3FFD];
	_ =	sdelay $0x3  }
0x9b: {  	_ =	strace s8  }
0x9c: {  	_ =	strace $0x8FFFFFFF  }
0x9d: {  	s19 =	sld [smem:$0x3FDB];
	_ =	sdelay $0x1  }
0x9e: {  	s9 =	simm.s32 $_scs_section_size  }
0x9f: {  	s10 =	simm.s32 $_size__tile_overlayer_lowered;
	s11 =	simm.s32 $_tile_overlayer_lowered  }
0xa0: {  	s22 =	simm.s32 $0x1BFF;
	s21 =	sshll.u32 s11, $0x1;
	s8 =	sadd.s32 s9, s19  }
0xa1: {  	s12 =	simm.s32 $0x0;
	s20 =	sshll.u32 s10, $0x1;
	s10 =	sadd.s32 s21, s8  }
0xa2: {  	[timem:s12], [sflag:s22] =	dma.local [hbm:s10], s20  }
0xa3: {  	_ =	swait.ge [sflag:s22], s20  }
0xa4: {  	s9 =	ssub.s32 $0x0, s20;
	[sflag:s22] =	ssyncset.done $0x0  }
0xa5: {  	[sflag:s22] =	ssyncadd.s32 s9;
	_ =	sdelay $0x1  }
0xa6: {  	s23 =	simm.s32 $0x1B8B  }
0xa7: {  	_ =	swait.ge [sflag:s23], $0x1  }
0xa8: {  	[sflag:s23] =	ssyncset.done $0x0  }
0xa9: {  	s25 =	simm.s32 $0x1B8E;
	s24 =	sld [smem:$0x3FFE];
	[sflag:s23] =	ssyncadd.s32 $0xFFFFFFFF  }
0xaa: {  	s26 =	simm.s32 $execute0_lowered;
	[smem:$0x3FD2] =	sst s25  }
0xab: {  	s10 =	sshll.u32 s26, $0x1;
	_ =	strace $0x80000046;
	[dreg:$0x1] =	wrdreg $0xFFFFFFFF  }
0xac: {  	s28 =	simm.s32 $_size_execute0_lowered;
	s8 =	sadd.s32 s8, s10;
	[dreg:$0x0] =	wrdreg $0x0  }
0xad: {  	s10 =	sshll.u32 s28, $0x1;
	[dreg:$0x2] =	wrdreg s8  }
0xae: {  	[dreg:$0x3] =	wrdreg s10  }
0xaf: {  	[dreg:$0x4] =	wrdreg $0xC0  }
0xb0: {  	_ =	task [dreg:s12], $0x5FFFF  }
0xb1: {  	[dreg:$0x1] =	wrdreg $0xFFFFFFFF  }
0xb2: {  	[dreg:$0x0] =	wrdreg $0x60  }
0xb3: {  	[dreg:$0x2] =	wrdreg s2  }
0xb4: {  	[dreg:$0x3] =	wrdreg s18  }
0xb5: {  	[dreg:$0x4] =	wrdreg s4  }
0xb6: {  	[dreg:$0x5] =	wrdreg s5  }
0xb7: {  	[dreg:$0x6] =	wrdreg s6  }
0xb8: {  	[dreg:$0x7] =	wrdreg s24  }
0xb9: {  	[dreg:$0x8] =	wrdreg s7  }
0xba: {  	[dreg:$0x9] =	wrdreg $0xF4280  }
0xbb: {  	[dreg:$0xa] =	wrdreg $0x10C980  }
0xbc: {  	[dreg:$0xb] =	wrdreg $0x0  }
0xbd: {  	[dreg:$0xc] =	wrdreg $0x9  }
0xbe: {  	_ =	task.clear_ibuf [dreg:s12], $0xDFFFF;
	_ =	strace $0x90000046  }
0xbf: {  	s29 =	simm.s32 $0x9;
	_ =	strace $0x80000048  }
0xc0: {  	_ =	swait.ge [sflag:s29], $0x1  }
0xc1: {  	[sflag:s29] =	ssyncadd.s32 $0xFFFFFFFF  }
0xc2: {  	_ =	strace $0x90000048  }
0xc3: {  	_ =	sfence  }
0xc4: {  	s30 =	sld [smem:$0x0];
	_ =	sdelay $0x2  }
0xc5: {  	s31 =	sshll.u32 s1, $0xD;
	s1 =	sshrl.u32 s1, $0x2  }
0xc6: {  	s3 =	sand.u32 $0x4000, s31;
	s1 =	sadd.s32 s1, s30  }
0xc7: {  	s0 =	sor.u32 s3, s0;
	s1 =	sshll.u32 s1, $0x11  }
0xc8: {  	s0 =	sor.u32 s1, s0  }
0xc9: {  	s0 =	sadd.s32 $0x8F2B, s0  }
0xca: {  	[sflag:s0] =	ssyncadd.remote.s32 $0x1  }
0xcb: {  	_ =	sfence.sel $0xFFFF  }
0xcc: {  	[dreg:$0x0] =	wrdreg $0xFFFFFFFF;
	(pc) =	sbr.abs _section_cstart, $3  }
0xcd: {  	[dreg:$0x1] =	wrdreg $0xFFFFFFFF  }
0xce: {  	_ =	task.clear_ibuf [dreg:s12], $0x2FFFF;
	_ =	strace $0x9FFFFFFF  }
0xcf: {  	(tm) =	ssettm $0x7FFFFFFF  }
tec
execute0_lowered:
.L_overlay_start_1:
0x0: {  	(tag) =	ssettag $0x1  }
0x1: {  	s0 =	rddreg [dreg:$0x0]  }
0x2: {  	s1 =	rddreg [dreg:$0x1]  }
0x3: {  	s2 =	rddreg [dreg:$0x2]  }
0x4: {  	s3 =	rddreg [dreg:$0x3]  }
0x5: {  	s5 =	rddreg [dreg:$0x4]  }
0x6: {  	s6 =	rddreg [dreg:$0x5]  }
0x7: {  	s7 =	rddreg [dreg:$0x6]  }
0x8: {  	s14 =	rddreg [dreg:$0x7]  }
0x9: {  	s16 =	rddreg [dreg:$0x8]  }
0xa: {  	s24 =	rddreg [dreg:$0x9];
	s8 =	srdreg.scid  }
0xb: {  	s4 =	simm.s32 $0x0;
	s17 =	stileid.u32;
	s30 =	simm.s32 $0x12508  }
0xc: {  	s31 =	simm.s32 $0x2;
	s8 =	sand.u32 $0x1, s8;
	[smem:$0x7FF] =	sst s4  }
0xd: {  	s11 =	sshll.u32 s17, $0x7;
	s12 =	smul.u32 $0x1800, s17;
	s13 =	sadd.s32 $0x600, s6  }
0xe: {  	s25 =	smul.u32 $0xF400, s17;
	p0 =	seq.s32 s17, $0xF;
	s17 =	sadd.s32 $0x1C980, s2  }
0xf: {  	s9 =	ssub.s32 $0x2, s8;
	_ =	strace $0x80000047;
	s8 =	sshll.u32 s8, $0x6  }
0x10: {  	[dreg:$0xb] =	wrdreg s13;
	s13 =	sadd.s32 $0x2D00, s5;
	s10 =	sshrl.u32 s9, $0x1  }
0x11: {  	s8 =	sor.u32 s8, s11;
	s23 =	sshrl.u32 s12, $0x3;
	s29 =	sshrl.u32 s25, $0x3  }
0x12: {  	s9 =	ssub.s32 s9, s10;
	s1 =	sadd.s32 s1, s8;
	s0 =	sadd.s32 s0, s8  }
0x13: {  	s26 =	sadd.s32 s3, s23;
	s10 =	sadd.s32 s25, s24;
	[dreg:$0xc] =	wrdreg s1  }
0x14: {  	s15 =	sadd.s32 s7, s8;
	s7 =	sadd.s32 $0x18680, s16;
	[dreg:$0xd] =	wrdreg s0  }
0x15: {  	s0 =	sadd.s32 s12, s14;
	[dreg:$0xe] =	wrdreg s26;
	s26 =	sadd.s32 s12, s16  }
0x16: {  	s1 =	sadd.s32 s5, s23;
	s12 =	sadd.s32 $0x2D00, s3;
	s3 =	sadd.s32 $0x16800, s16  }
0x17: {  	s5 =	sadd.s32 $0x18680, s14;
	s16 =	sadd.s32 $0x620, s6;
	s18 =	smax.u32 s9, $0x1  }
0x18: {  	s22 =	sshrl.u32 @p0 s7, $0x3;
	s28 =	sshrl.u32 @!p0 s10, $0x3;
	[dreg:$0xf] =	wrdreg s1  }
0x19: {  	s1 =	sadd.s32 s2, s29;
	s20 =	sshrl.u32 @p0 s3, $0x3;
	s21 =	sshrl.u32 @p0 s5, $0x3  }
0x1a: {  	s25 =	sshrl.u32 @!p0 s0, $0x3;
	[dreg:$0x10] =	wrdreg s1;
	s1 =	sadd.s32 $0x16800, s14  }
0x1b: {  	s26 =	sshrl.u32 @!p0 s26, $0x3;
	s19 =	sshrl.u32 @p0 s1, $0x3;
	s1 =	sadd.s32 $0xE4C00, s24  }
0x1c: {  	s0 =	simm.s32 $0x3;
	s23 =	sshrl.u32 @p0 s1, $0x3;
	s1 =	sadd.s32 $0xF4200, s24  }
0x1d: {  	s3 =	simm.s32 $0x0;
	s14 =	sadd.s32 $0x610, s6;
	s24 =	sshrl.u32 @p0 s1, $0x3  }
.LBB2_1:
0x1e: {  	s1 =	rddreg [dreg:$0xc];
	s2 =	simm.s32 $0x12708  }
0x1f: {  	[tilespmem:s2], [sflag:$0x2] =	stream.linear.gather [hbm4b:s1+s4], $0x200, $0x38;
	[tilespmem:$0x13108] =	vst v63  }
0x20: {  	s8 =	rddreg [dreg:$0xd];
	s1 =	simm.s32 @p0 $0x1FC1  }
0x21: {  	[tilespmem:s30], [sflag:$0x2] =	stream.linear.gather [hbm4b:s8+s4], $0x200, $0x38;
	[tilespmem:$0x13108] =	vst v63  }
0x22: {  	[spmem:s19], [sflag:s1] =	dma.local @p0 [hbm:s12], $0x3D0  }
0x23: {  	[spmem:s20], [sflag:s1] =	dma.local @p0 [hbm:s13], $0x3D0  }
0x24: {  	[spmem:s21], [sflag:s1] =	dma.local @p0 [hbm:s14], $0x10  }
0x25: {  	[spmem:s22], [sflag:s1] =	dma.local @p0 [hbm:s16], $0x10  }
0x26: {  	[spmem:s23], [sflag:s1] =	dma.local @p0 [hbm:s17], $0x1EC0  }
0x27: {  	s2 =	rddreg [dreg:$0xb]  }
0x28: {  	[spmem:s24], [sflag:s1] =	dma.local @p0 [hbm:s2], $0x10  }
0x29: {  	s1 =	simm.s32 @p0 $0x1  }
0x2a: {  	_ =	swait.ge @p0 [sflag:s1], $0x3D0  }
0x2b: {  	[sflag:s1] =	ssyncset.done @p0 $0x0  }
0x2c: {  	[sflag:s1] =	ssyncadd.s32 @p0 $0xFFFFFC30  }
0x2d: {  	_ =	swait.ge @p0 [sflag:s1], $0x3D0  }
0x2e: {  	[sflag:s1] =	ssyncset.done @p0 $0x0  }
0x2f: {  	[sflag:s1] =	ssyncadd.s32 @p0 $0xFFFFFC30  }
0x30: {  	_ =	swait.ge @p0 [sflag:s1], $0x10  }
0x31: {  	[sflag:s1] =	ssyncset.done @p0 $0x0  }
0x32: {  	[sflag:s1] =	ssyncadd.s32 @p0 $0xFFFFFFF0  }
0x33: {  	_ =	swait.ge @p0 [sflag:s1], $0x10  }
0x34: {  	[sflag:s1] =	ssyncset.done @p0 $0x0  }
0x35: {  	[sflag:s1] =	ssyncadd.s32 @p0 $0xFFFFFFF0  }
0x36: {  	s2 =	simm.s32 @p0 $0x2;
	[bflag:$0x0] =	sbarrier.arrive @p0 $0xFFFF  }
0x37: {  	_ =	swait.ge @p0 [sflag:s2], $0x200  }
0x38: {  	[sflag:s2] =	ssyncset.done @p0 $0x0  }
0x39: {  	s5 =	simm.s32 @p0 $0x12708;
	[sflag:s2] =	ssyncadd.s32 @p0 $0xFFFFFE00  }
0x3a: {  	s6 =	simm.s32 @p0 $0x12B08;
	s2 =	simm.s32 @p0 $0x200;
	s7 =	rddreg [dreg:$0x7]  }
0x3b: {  	[tilespmem:s6], [sflag:$0x2] =	stream.indirect.gather @p0 [spmem:s7], $0x1, s5, s2, $0xb8;
	[tilespmem:$0x13108] =	vst v63  }
0x3c: {  	s8 =	rddreg [dreg:$0x8];
	s6 =	simm.s32 @p0 $0x12D08  }
0x3d: {  	[tilespmem:s6], [sflag:$0x2] =	stream.indirect.gather @p0 [spmem:s8], $0x1, s5, s2, $0xb8;
	[tilespmem:$0x13108] =	vst v63  }
0x3e: {  	_ =	swait.ge @p0 [sflag:s1], $0x1EC0  }
0x3f: {  	[sflag:s1] =	ssyncset.done @p0 $0x0  }
0x40: {  	[sflag:s1] =	ssyncadd.s32 @p0 $0xFFFFE140  }
0x41: {  	s2 =	stileid.u32;
	_ =	swait.ge @p0 [sflag:s1], $0x10  }
0x42: {  	s2 =	sshll.u32 @!p0 s2, $0x6;
	[sflag:s1] =	ssyncset.done @p0 $0x0  }
0x43: {  	[sflag:s1] =	ssyncadd.s32 @p0 $0xFFFFFFF0;
	s1 =	sor.u32 @!p0 $0x1C01, s2;
	s2 =	rddreg [dreg:$0xe]  }
0x44: {  	[spmem:s25], [sflag:s1] =	dma.local @!p0 [hbm:s2], $0x300  }
0x45: {  	s2 =	rddreg [dreg:$0xf]  }
0x46: {  	[spmem:s26], [sflag:s1] =	dma.local @!p0 [hbm:s2], $0x300  }
0x47: {  	s2 =	rddreg [dreg:$0x10]  }
0x48: {  	[spmem:s28], [sflag:s1] =	dma.local @!p0 [hbm:s2], $0x1E80  }
0x49: {  	s1 =	simm.s32 @!p0 $0x1  }
0x4a: {  	_ =	swait.ge @!p0 [sflag:s1], $0x300  }
0x4b: {  	[sflag:s1] =	ssyncset.done @!p0 $0x0  }
0x4c: {  	[sflag:s1] =	ssyncadd.s32 @!p0 $0xFFFFFD00  }
0x4d: {  	_ =	swait.ge @!p0 [sflag:s1], $0x300  }
0x4e: {  	[sflag:s1] =	ssyncset.done @!p0 $0x0  }
0x4f: {  	[sflag:s1] =	ssyncadd.s32 @!p0 $0xFFFFFD00  }
0x50: {  	s2 =	simm.s32 @!p0 $0x2;
	[bflag:$0x0] =	sbarrier.arrive @!p0 $0xFFFF  }
0x51: {  	_ =	swait.ge @!p0 [sflag:s2], $0x200  }
0x52: {  	s5 =	simm.s32 @!p0 $0x12708;
	[sflag:s2] =	ssyncset.done @!p0 $0x0  }
0x53: {  	s6 =	simm.s32 @!p0 $0x12B08;
	[sflag:s2] =	ssyncadd.s32 @!p0 $0xFFFFFE00;
	s2 =	simm.s32 @!p0 $0x200  }
0x54: {  	[tilespmem:s6], [sflag:$0x2] =	stream.indirect.gather @!p0 [spmem:s7], $0x1, s5, s2, $0xb8;
	[tilespmem:$0x13108] =	vst v63  }
0x55: {  	s6 =	simm.s32 @!p0 $0x12D08  }
0x56: {  	[tilespmem:s6], [sflag:$0x2] =	stream.indirect.gather @!p0 [spmem:s8], $0x1, s5, s2, $0xb8;
	[tilespmem:$0x13108] =	vst v63  }
0x57: {  	_ =	swait.ge @!p0 [sflag:s1], $0x1E80  }
0x58: {  	[sflag:s1] =	ssyncset.done @!p0 $0x0  }
0x59: {  	[sflag:s1] =	ssyncadd.s32 @!p0 $0xFFFFE180  }
0x5a: {  	[bflag:$0x0] =	sbarrier.arrive $0xFFFF  }
0x5b: {  	_ =	swait.ge [sflag:s31], $0x200  }
0x5c: {  	[sflag:s31] =	ssyncset.done $0x0  }
0x5d: {  	[sflag:s31] =	ssyncadd.s32 $0xFFFFFE00  }
0x5e: {  	s10 =	simm.s32 $0x200;
	s11 =	simm.s32 $0x12908;
	s9 =	rddreg [dreg:$0x9]  }
0x5f: {  	[tilespmem:s11], [sflag:$0x2] =	stream.indirect.gather [spmem:s9], $0x1, s30, s10, $0xb8;
	[tilespmem:$0x13108] =	vst v63  }
0x60: {  	_ =	swait.ge [sflag:s31], $0x200  }
0x61: {  	[sflag:s31] =	ssyncset.done $0x0  }
0x62: {  	[sflag:s31] =	ssyncadd.s32 $0xFFFFFE00  }
0x63: {  	_ =	swait.ge [sflag:s31], $0x200  }
0x64: {  	[sflag:s31] =	ssyncset.done $0x0  }
0x65: {  	[sflag:s31] =	ssyncadd.s32 $0xFFFFFE00  }
0x66: {  	_ =	swait.ge [sflag:s31], $0x200  }
0x67: {  	[sflag:s31] =	ssyncset.done $0x0  }
0x68: {  	s29 =	simm.s32 $0x0;
	[sflag:s31] =	ssyncadd.s32 $0xFFFFFE00  }
0x69: {  	v0 =	vld [tilespmem:s29+$0x12B08]  }
0x6a: {  	v1 =	vld [tilespmem:s29+$0x12D08]  }
0x6b: {  	v2 =	vld [tilespmem:s29+$0x12908];
	_ =	sdelay $0x2  }
0x6c: {  	s5 =	simm.s32 $0x10;
	v0 =	vsub.f32 $0.0e+00, v0  }
0x6d: {  	v3 =	vld [tilespmem:s5+$0x12B08];
	v1 =	vsub.f32 $0.0e+00, v1  }
0x6e: {  	v4 =	vld [tilespmem:s5+$0x12D08];
	v2 =	vsub.f32 $0.0e+00, v2;
	v0 =	vmul.f32 $1.442695020e+00, v0  }
0x6f: {  	v1 =	vmul.f32 $1.442695020e+00, v1  }
0x70: {  	(erf) = vpow2.f32 v0;
	v0 =	vmul.f32 $1.442695020e+00, v2  }
0x71: {  	(erf) = vpow2.f32 v1  }
0x72: {  	s6 =	simm.s32 $0x20;
	v1 =	vld [tilespmem:s5+$0x12908];
	(erf) = vpow2.f32 v0;
	v0 =	vsub.f32 $0.0e+00, v3  }
0x73: {  	v2 =	vsub.f32 $0.0e+00, v4;
	v3 =	vld [tilespmem:s6+$0x12B08]  }
0x74: {  	v0 =	vmul.f32 $1.442695020e+00, v0  }
0x75: {  	v4 =	vld [tilespmem:s6+$0x12D08];
	v2 =	vmul.f32 $1.442695020e+00, v2  }
0x76: {  	(erf) = vpow2.f32 v0  }
0x77: {  	v1 =	vsub.f32 $0.0e+00, v1;
	(erf) = vpow2.f32 v2  }
0x78: {  	v3 =	vsub.f32 $0.0e+00, v3  }
0x79: {  	v2 =	vld [tilespmem:s6+$0x12908];
	v1 =	vmul.f32 $1.442695020e+00, v1;
	v0 =	vpop (erf)  }
0x7a: {  	v4 =	vsub.f32 $0.0e+00, v4;
	v3 =	vmul.f32 $1.442695020e+00, v3;
	v5 =	vpop (erf)  }
0x7b: {  	(erf) = vpow2.f32 v1;
	v1 =	vadd.f32 $1.000000000e+00, v0;
	v5 =	vadd.f32 $1.000000000e+00, v5  }
0x7c: {  	s1 =	simm.s32 $0x30;
	v4 =	vmul.f32 $1.442695020e+00, v4;
	v6 =	vpop (erf)  }
0x7d: {  	v8 =	vadd.f32 $1.000000000e+00, v6;
	v1 =	vmul.f32 v5, v1;
	v5 =	vld [tilespmem:s1+$0x12D08]  }
0x7e: {  	v7 =	vld [tilespmem:s1+$0x12B08];
	v2 =	vsub.f32 $0.0e+00, v2  }
0x7f: {  	(erf) = vpow2.f32 v3;
	v1 =	vmul.f32 v1, v8;
	v3 =	vpop (erf)  }
0x80: {  	(erf) = vpow2.f32 v4;
	v2 =	vmul.f32 $1.442695020e+00, v2;
	v4 =	vpop (erf)  }
0x81: {  	(erf) = vrcp.f32 v1;
	v1 =	vld [tilespmem:s1+$0x12908];
	v4 =	vadd.f32 $1.000000000e+00, v4  }
0x82: {  	(erf) = vpow2.f32 v2;
	v2 =	vadd.f32 $1.000000000e+00, v3;
	v5 =	vsub.f32 $0.0e+00, v5  }
0x83: {  	s2 =	simm.s32 $0x40;
	v7 =	vsub.f32 $0.0e+00, v7  }
0x84: {  	v9 =	vld [tilespmem:s2+$0x12B08];
	v8 =	vpop (erf);
	v2 =	vmul.f32 v4, v2;
	v4 =	vmul.f32 $1.442695020e+00, v5  }
0x85: {  	v7 =	vmul.f32 $1.442695020e+00, v7;
	v10 =	vadd.f32 $1.000000000e+00, v8  }
0x86: {  	v5 =	vld [tilespmem:s2+$0x12D08];
	v1 =	vsub.f32 $0.0e+00, v1  }
0x87: {  	v0 =	vsub.f32 v0, v6;
	(erf) = vpow2.f32 v7;
	v2 =	vmul.f32 v2, v10  }
0x88: {  	(erf) = vpow2.f32 v4;
	v4 =	vpop (erf);
	v1 =	vmul.f32 $1.442695020e+00, v1  }
0x89: {  	v0 =	vmul.f32 $-1.000000000e+01, v0;
	v7 =	vsub.f32 $0.0e+00, v9;
	v6 =	vpop (erf);
	(erf) = vrcp.f32 v2  }
0x8a: {  	v2 =	vld [tilespmem:s2+$0x12908];
	v9 =	vpop (erf);
	(erf) = vpow2.f32 v1;
	v1 =	vadd.f32 $1.000000000e+00, v4;
	v6 =	vadd.f32 $1.000000000e+00, v6  }
0x8b: {  	v5 =	vsub.f32 $0.0e+00, v5;
	v10 =	vpop (erf);
	v0 =	vmul.f32 v9, v0  }
0x8c: {  	s7 =	simm.s32 $0x50;
	v7 =	vmul.f32 $1.442695020e+00, v7;
	v11 =	vadd.f32 $1.000000000e+00, v10;
	v1 =	vmul.f32 v6, v1  }
0x8d: {  	v9 =	vld [tilespmem:s7+$0x12B08];
	v5 =	vmul.f32 $1.442695020e+00, v5;
	v0 =	vadd.f32 $0.0e+00, v0  }
0x8e: {  	(erf) = vpow2.f32 v7;
	v7 =	vld [tilespmem:s7+$0x12908];
	v1 =	vmul.f32 v1, v11  }
0x8f: {  	v6 =	vld [tilespmem:s7+$0x12D08];
	v2 =	vsub.f32 $0.0e+00, v2;
	v0 =	vmul.f32 $1.442695020e+00, v0  }
0x90: {  	v3 =	vsub.f32 v3, v8;
	(erf) = vpow2.f32 v5  }
0x91: {  	v5 =	vpop (erf);
	v2 =	vmul.f32 $1.442695020e+00, v2;
	(erf) = vrcp.f32 v1  }
0x92: {  	v3 =	vmul.f32 $-1.000000000e+01, v3;
	v8 =	vsub.f32 $0.0e+00, v9;
	v1 =	vpop (erf);
	(erf) = vpow2.f32 v0  }
0x93: {  	v0 =	vpop (erf);
	(erf) = vpow2.f32 v2;
	v2 =	vadd.f32 $1.000000000e+00, v5;
	v1 =	vadd.f32 $1.000000000e+00, v1  }
0x94: {  	s8 =	simm.s32 $0x60;
	v7 =	vsub.f32 $0.0e+00, v7;
	v6 =	vsub.f32 $0.0e+00, v6;
	v9 =	vpop (erf);
	v0 =	vmul.f32 v0, v3  }
0x95: {  	v8 =	vmul.f32 $1.442695020e+00, v8;
	v3 =	vld [tilespmem:s8+$0x12B08];
	v11 =	vadd.f32 $1.000000000e+00, v9;
	v1 =	vmul.f32 v1, v2  }
0x96: {  	v2 =	vmul.f32 $1.442695020e+00, v6;
	v6 =	vadd.f32 $0.0e+00, v0  }
0x97: {  	v12 =	vld [tilespmem:s8+$0x12D08];
	(erf) = vpow2.f32 v8;
	v1 =	vmul.f32 v1, v11  }
0x98: {  	(erf) = vpow2.f32 v2;
	v2 =	vsub.f32 v4, v10;
	v0 =	vpop (erf);
	v4 =	vmul.f32 $1.442695020e+00, v6  }
0x99: {  	v6 =	vmul.f32 $1.442695020e+00, v7;
	v7 =	vpop (erf);
	(erf) = vrcp.f32 v1  }
0x9a: {  	v3 =	vsub.f32 $0.0e+00, v3;
	v8 =	vmul.f32 $-1.000000000e+01, v2;
	v10 =	vpop (erf);
	(erf) = vpow2.f32 v4  }
0x9b: {  	v1 =	vld [tilespmem:s8+$0x12908];
	v4 =	vadd.f32 $1.000000000e+00, v0;
	(erf) = vpow2.f32 v6;
	v6 =	vadd.f32 $1.000000000e+00, v7;
	v7 =	vpop (erf)  }
0x9c: {  	v11 =	vsub.f32 $0.0e+00, v12;
	v8 =	vmul.f32 v10, v8;
	v2 =	vpop (erf);
	v7 =	vadd.f32 $1.000000000e+00, v7  }
0x9d: {  	s9 =	simm.s32 $0x70;
	v3 =	vmul.f32 $1.442695020e+00, v3;
	v10 =	vadd.f32 $1.000000000e+00, v2;
	v63 =	vmul.f32 v6, v4  }
0x9e: {  	v11 =	vmul.f32 $1.442695020e+00, v11;
	v13 =	vadd.f32 $0.0e+00, v8;
	v4 =	vld [tilespmem:s9+$0x12B08];
	(erf) = vrcp.f32 v7  }
0x9f: {  	v8 =	vsub.f32 v5, v9;
	(erf) = vpow2.f32 v3;
	v7 =	vmul.f32 v63, v10  }
0xa0: {  	s10 =	simm.s32 $0x200;
	v6 =	vsub.f32 $0.0e+00, v1;
	v1 =	vpop (erf);
	v3 =	vld [tilespmem:s9+$0x12D08];
	v5 =	vmul.f32 $1.442695020e+00, v13;
	(erf) = vpow2.f32 v11  }
.LBB2_2:
0xa1: {  	_ = 	snop  }
0xa2: {  	p1 =	sne.s32 s10, $0x7C0;
	v6 =	vmul.f32 $1.442695020e+00, v6;
	v9 =	vpop (erf);
	v10 =	vmov v2;
	s11 =	smov.u32 s6;
	s6 =	smov.u32 s1;
	(erf) = vrcp.f32 v7  }
0xa3: {  	s1 =	smov.u32 s2;
	s2 =	smov.u32 s7;
	s7 =	smov.u32 s8;
	v11 =	vsub.f32 $0.0e+00, v4;
	v4 =	vmul.f32 $-1.000000000e+01, v8;
	v7 =	vld [tilespmem:s9+$0x12908];
	v8 =	vpop (erf);
	(erf) = vpow2.f32 v5  }
0xa4: {  	s8 =	smov.u32 s9;
	v5 =	vadd.f32 $1.000000000e+00, v1;
	(erf) = vpow2.f32 v6;
	v6 =	vadd.f32 $1.000000000e+00, v9;
	v9 =	vpop (erf)  }
.Ltmp0:
0xa5: {  	s9 =	sshra.s32 s10, $0x2;
	v3 =	vsub.f32 $0.0e+00, v3;
	v8 =	vmul.f32 v8, v4;
	v2 =	vpop (erf);
	v15 =	vadd.f32 $1.000000000e+00, v9;
	(pc) =	sbr.rel @p1 .LBB2_2-.Ltmp0, $4  }
0xa6: {  	v13 =	vmovc v0;
	v0 =	vmovc v1;
	v11 =	vmul.f32 $1.442695020e+00, v11;
	v4 =	vld [tilespmem:s9+$0x12B08];
	v12 =	vadd.f32 $1.000000000e+00, v2;
	v5 =	vmul.f32 v6, v5  }
0xa7: {  	v16 =	vmul.f32 $1.442695020e+00, v3;
	v14 =	vadd.f32 $0.0e+00, v8;
	(erf) = vrcp.f32 v15  }
0xa8: {  	v3 =	vld [tilespmem:s9+$0x12D08];
	v6 =	vsub.f32 $0.0e+00, v7;
	(erf) = vpow2.f32 v11;
	v7 =	vmul.f32 v5, v12;
	v9 =	vpop (erf)  }
0xa9: {  	s10 =	sadd.s32 $0x40, s10;
	v8 =	vsub.f32 v13, v10;
	v5 =	vmul.f32 $1.442695020e+00, v14;
	(erf) = vpow2.f32 v16;
	v1 =	vpop (erf);
	[tilespmem:s29+$0x12F08] =	vst v9;
	s29 =	smov.u32 s5;
	s5 =	smov.u32 s11  }
0xaa: {  	v6 =	vmul.f32 $1.442695020e+00, v6;
	v9 =	vpop (erf);
	(erf) = vrcp.f32 v7  }
0xab: {  	v20 =	vld [tilespmem:s9+$0x12908];
	v21 =	vadd.f32 $1.000000000e+00, v1;
	v8 =	vmul.f32 $-1.000000000e+01, v8;
	v10 =	vpop (erf);
	(erf) = vpow2.f32 v5  }
0xac: {  	v4 =	vsub.f32 $0.0e+00, v4;
	v22 =	vadd.f32 $1.000000000e+00, v9;
	(erf) = vpow2.f32 v6;
	v23 =	vpop (erf)  }
0xad: {  	v3 =	vsub.f32 $0.0e+00, v3;
	v11 =	vpop (erf);
	v8 =	vmul.f32 v10, v8;
	v9 =	vadd.f32 $1.000000000e+00, v23  }
0xae: {  	v4 =	vmul.f32 $1.442695020e+00, v4;
	v5 =	vmul.f32 v22, v21;
	v24 =	vadd.f32 $1.000000000e+00, v11  }
0xaf: {  	v3 =	vmul.f32 $1.442695020e+00, v3;
	v25 =	vadd.f32 $0.0e+00, v8;
	(erf) = vrcp.f32 v9  }
0xb0: {  	v7 =	vsub.f32 $0.0e+00, v20;
	(erf) = vpow2.f32 v4;
	v26 =	vmul.f32 v5, v24  }
0xb1: {  	(erf) = vpow2.f32 v3;
	v27 =	vmul.f32 $1.442695020e+00, v25  }
0xb2: {  	v28 =	vpop (erf);
	v29 =	vmul.f32 $1.442695020e+00, v7;
	(erf) = vrcp.f32 v26  }
0xb3: {  	v30 =	vpop (erf);
	(erf) = vpow2.f32 v27  }
0xb4: {  	v31 =	vpop (erf);
	(erf) = vpow2.f32 v29  }
0xb5: {  	v0 =	vsub.f32 v0, v2;
	v32 =	vpop (erf)  }
0xb6: {  	v33 =	vpop (erf)  }
0xb7: {  	v0 =	vmul.f32 $-1.000000000e+01, v0;
	v34 =	vpop (erf)  }
0xb8: {  	v35 =	vpop (erf)  }
0xb9: {  	v36 =	vadd.f32 $1.000000000e+00, v30;
	v3 =	vadd.f32 $1.000000000e+00, v31;
	v0 =	vmul.f32 v32, v0;
	v37 =	vpop (erf)  }
0xba: {  	v39 =	vsub.f32 v1, v11;
	v2 =	vadd.f32 $1.000000000e+00, v33;
	v12 =	vpop (erf)  }
0xbb: {  	v3 =	vmul.f32 v3, v36;
	v38 =	vadd.f32 $1.000000000e+00, v34;
	v0 =	vadd.f32 $0.0e+00, v0;
	v40 =	vpop (erf)  }
0xbc: {  	v1 =	vmul.f32 $-1.000000000e+01, v39;
	v41 =	vadd.f32 $1.000000000e+00, v37;
	v42 =	vadd.f32 $1.000000000e+00, v12;
	v43 =	vpop (erf)  }
0xbd: {  	(erf) = vrcp.f32 v2;
	v3 =	vmul.f32 v3, v38;
	v44 =	vpop (erf)  }
0xbe: {  	v0 =	vmul.f32 $1.442695020e+00, v0;
	v2 =	vmul.f32 v42, v41;
	v45 =	vadd.f32 $1.000000000e+00, v44  }
0xbf: {  	(erf) = vrcp.f32 v3;
	v1 =	vmul.f32 v40, v1;
	v46 =	vadd.f32 $1.000000000e+00, v43  }
0xc0: {  	(erf) = vpow2.f32 v0;
	v47 =	vmul.f32 v2, v45  }
0xc1: {  	v1 =	vadd.f32 $0.0e+00, v1;
	(erf) = vrcp.f32 v46  }
0xc2: {  	(erf) = vrcp.f32 v47  }
0xc3: {  	v48 =	vmul.f32 $1.442695020e+00, v1;
	_ =	sdelay $0x1  }
0xc4: {  	(erf) = vpow2.f32 v48  }
0xc5: {  	v49 =	vsub.f32 v30, v34  }
0xc6: {  	v50 =	vpop (erf)  }
0xc7: {  	v0 =	vmul.f32 $-1.000000000e+01, v49;
	v52 =	vsub.f32 v37, v44;
	v51 =	vpop (erf)  }
0xc8: {  	v53 =	vpop (erf)  }
0xc9: {  	v3 =	vmul.f32 $-1.000000000e+01, v52;
	v0 =	vmul.f32 v51, v0;
	v54 =	vpop (erf)  }
0xca: {  	v55 =	vpop (erf)  }
0xcb: {  	v0 =	vadd.f32 $0.0e+00, v0;
	v3 =	vmul.f32 v55, v3  }
0xcc: {  	v4 =	vadd.f32 $1.000000000e+00, v53  }
0xcd: {  	v0 =	vmul.f32 $1.442695020e+00, v0;
	v56 =	vpop (erf);
	v3 =	vadd.f32 $0.0e+00, v3  }
0xce: {  	(erf) = vrcp.f32 v4;
	v57 =	vadd.f32 $1.000000000e+00, v56  }
0xcf: {  	(erf) = vpow2.f32 v0;
	v58 =	vmul.f32 $1.442695020e+00, v3  }
0xd0: {  	(erf) = vrcp.f32 v57  }
0xd1: {  	(erf) = vpow2.f32 v58;
	_ =	sdelay $0x5  }
0xd2: {  	v59 =	vpop (erf)  }
0xd3: {  	v60 =	vpop (erf)  }
0xd4: {  	v4 =	vpop (erf)  }
0xd5: {  	v3 =	vadd.f32 $1.000000000e+00, v60;
	v61 =	vpop (erf)  }
0xd6: {  	v6 =	vadd.f32 $1.000000000e+00, v61  }
0xd7: {  	(erf) = vrcp.f32 v3  }
0xd8: {  	(erf) = vrcp.f32 v6;
	_ =	sdelay $0x2  }
0xd9: {  	[tilespmem:s29+$0x12F08] =	vst v28  }
0xda: {  	[tilespmem:s5+$0x12F08] =	vst v35  }
0xdb: {  	[tilespmem:s6+$0x12F08] =	vst v50  }
0xdc: {  	[tilespmem:s1+$0x12F08] =	vst v54  }
0xdd: {  	[tilespmem:s2+$0x12F08] =	vst v59  }
0xde: {  	s3 =	sadd.s32 $0x1, s3;
	[tilespmem:s7+$0x12F08] =	vst v4;
	v62 =	vpop (erf)  }
0xdf: {  	p1 =	sne.s32 s3, s18;
	[tilespmem:s8+$0x12F08] =	vst v62;
	v63 =	vpop (erf)  }
.Ltmp1:
0xe0: {  	s29 =	simm.s32 $0x12F08;
	[tilespmem:s9+$0x12F08] =	vst v63;
	(pc) =	sbr.rel @p1 .LBB2_1-.Ltmp1, $4  }
0xe1: {  	[hbm4b:s15+s4] =	stream.linear.scatter [tilespmem:s29], [sflag:$0x3], $0x200, $0x38;
	[tilespmem:$0x13108] =	vst v63  }
0xe2: {  	_ =	swait.ge [sflag:s0], $0x200  }
0xe3: {  	[sflag:s0] =	ssyncset.done $0x0  }
0xe4: {  	[sflag:s0] =	ssyncadd.s32 $0xFFFFFE00  }
0xe5: {  	_ =	sfence.sel $0x180000  }
0xe6: {  	[bflag:$0x0] =	sbarrier.arrive $0xFFFF  }
0xe7: {  	_ =	strace $0x90000047  }
0xe8: {  	s0 =	stileid.u32;
	[bflag:$0x2] =	sbarrier.arrive $0xFFFF  }
0xe9: {  	p0 =	sne.s32 s0, $0x0;
	s0 =	rddreg [dreg:$0xa]  }
0xea: {  	s0 =	sadd.s32 @!p0 $0x100000, s0  }
0xeb: {  	[sflag:s0] =	ssyncadd.tile.s32 @!p0 $0x1;
	_ =	shalt  }
.Lfunc_end2:
_tile_overlayer_lowered:
.L_overlay_start_2:
0xec: {  	(tag) =	ssettag $0x2  }
0xed: {  	s0 =	rddreg [dreg:$0x0];
	s2 =	stileid.u32  }
0xee: {  	s1 =	rddreg [dreg:$0x1];
	p0 =	sne.s32 s2, $0x0  }
0xef: {  	s3 =	rddreg [dreg:$0x2];
	[bflag:$0x3] =	sbarrier.arrive $0xFFFF;
	s2 =	simm.s32 @!p0 $0x1C03  }
0xf0: {  	[timem:s3], [sflag:s2] =	dma.local @!p0 [hbm:s0], s1  }
0xf1: {  	s0 =	simm.s32 @!p0 $0x3  }
0xf2: {  	_ =	swait.ge @!p0 [sflag:s0], s1  }
0xf3: {  	s1 =	ssub.s32 @!p0 $0x0, s1;
	[sflag:s0] =	ssyncset.done @!p0 $0x0  }
0xf4: {  	[sflag:s0] =	ssyncadd.s32 @!p0 s1  }
0xf5: {  	[bflag:$0x3] =	sbarrier.arrive $0xFFFF  }
0xf6: {  	_ =	shalt  }

</sc_bundles>
